<compile_context>
chip_gen: v7x
topology: tpu7x:2x2x1
jax: 0.10.2.dev20260603
libtpu: 0.0.44.dev20260713+nightly
codegen_flags: <defaults>
</compile_context>

<pallas_src>
import functools

import jax
import jax.numpy as jnp
from jax import lax
from jax.experimental import pallas as pl
from jax.experimental.pallas import tpu as pltpu
from jax.experimental.pallas import tpu_sc as plsc

D = 128
B = 16384
NC = 2
NS = 16
NW = NC * NS
BPW = B // NW
CHUNK = 128
NCH = BPW // CHUNK
SLOTS = 3
LEAD = 2

_mesh = plsc.VectorSubcoreMesh(
    core_axis_name="c", subcore_axis_name="s", num_cores=NC, num_subcores=NS
)


@functools.partial(
    pl.kernel,
    out_type=(
        jax.ShapeDtypeStruct((B, D), jnp.float32),
        jax.ShapeDtypeStruct((B, D), jnp.float32),
    ),
    mesh=_mesh,
    scratch_types=[
        pltpu.VMEM((BPW,), jnp.int32),
        pltpu.VMEM((SLOTS, CHUNK, D), jnp.float32),
        pltpu.VMEM((SLOTS, CHUNK, D), jnp.float32),
    ] + [pltpu.SemaphoreType.DMA] * (4 * SLOTS),
)
def _gather2(ids_hbm, h0_hbm, c0_hbm, h_out, c_out, idx_v, hb, cb, *sems):
    hgs, cgs = sems[0:SLOTS], sems[SLOTS:2 * SLOTS]
    hws = sems[2 * SLOTS:3 * SLOTS]
    cws = sems[3 * SLOTS:4 * SLOTS]
    wid = lax.axis_index("c") * NS + lax.axis_index("s")
    base = wid * BPW
    pltpu.sync_copy(ids_hbm.at[pl.ds(base, BPW)], idx_v)

    hg = [None] * NCH
    cg = [None] * NCH
    hw = [None] * NCH
    cw = [None] * NCH
    for j in range(NCH + LEAD):
        if j < NCH:
            s = j % SLOTS
            if j >= SLOTS:
                hw[j - SLOTS].wait()
                cw[j - SLOTS].wait()
            idx_j = idx_v.at[pl.ds(j * CHUNK, CHUNK)]
            hg[j] = pltpu.async_copy(h0_hbm.at[idx_j], hb.at[s], hgs[s])
            cg[j] = pltpu.async_copy(c0_hbm.at[idx_j], cb.at[s], cgs[s])
        k = j - LEAD
        if 0 <= k < NCH:
            s = k % SLOTS
            dst = pl.ds(base + k * CHUNK, CHUNK)
            hg[k].wait()
            hw[k] = pltpu.async_copy(hb.at[s], h_out.at[dst], hws[s])
            cg[k].wait()
            cw[k] = pltpu.async_copy(cb.at[s], c_out.at[dst], cws[s])

    for k in range(max(0, NCH - SLOTS), NCH):
        hw[k].wait()
        cw[k].wait()


def kernel(subject_ids, h0_weight, c0_weight):
    ids = subject_ids.astype(jnp.int32)
    return _gather2(ids, h0_weight, c0_weight)

# --- scband reference (transcript-rebuilt; emitter-appended) ---
"""Pipeline reference for scband-subject-specific-hidden-states-39573828666213 (READ-ONLY COPY).

The authoritative reference and input builder live on the scoring server;
editing this copy changes nothing except your own understanding.
"""

import jax, jax.numpy as jnp
import numpy as np

NUM_SUBJECTS = 100000
HIDDEN_DIM = 128
BATCH = 16384


def setup_inputs(seed: int = 0) -> dict:
    key = jax.random.key(seed)
    k_ids, k_h0, k_c0 = jax.random.split(key, 3)
    subject_ids = jax.random.randint(k_ids, (BATCH,), 0, NUM_SUBJECTS, dtype=jnp.int64) if jax.config.jax_enable_x64 else jax.random.randint(k_ids, (BATCH,), 0, NUM_SUBJECTS, dtype=jnp.int32)
    h0_weight = 0.01 * jax.random.normal(k_h0, (NUM_SUBJECTS, HIDDEN_DIM), dtype=jnp.float32)
    c0_weight = 0.01 * jax.random.normal(k_c0, (NUM_SUBJECTS, HIDDEN_DIM), dtype=jnp.float32)
    return {"subject_ids": subject_ids, "h0_weight": h0_weight, "c0_weight": c0_weight}


def reference(subject_ids, h0_weight, c0_weight):
    # Faithful translation of SubjectSpecificHiddenStates.forward with rnn_type='lstm'
    ids = subject_ids.astype(jnp.int32)
    h0 = jnp.take(h0_weight, ids, axis=0)
    c0 = jnp.take(c0_weight, ids, axis=0)
    return (h0, c0)

if __name__ == "__main__":
    import jax
    _d = setup_inputs()
    print(jax.jit(kernel)(*tuple(_d.values())))

</pallas_src>

<mosaic_0001>
#map = affine_map<(d0, d1) -> (0)>
#map1 = affine_map<(d0, d1) -> (0, 0)>
module attributes {stable_mosaic.version = 14 : i64} {
  func.func @_gather2(%arg0: i32, %arg1: i32, %arg2: memref<16384xi32, #tpu.memory_space<hbm>>, %arg3: memref<100000x128xf32, #tpu.memory_space<hbm>>, %arg4: memref<100000x128xf32, #tpu.memory_space<hbm>>, %arg5: memref<16384x128xf32, #tpu.memory_space<hbm>>, %arg6: memref<16384x128xf32, #tpu.memory_space<hbm>>, %arg7: memref<512xi32, #tpu.memory_space<vmem>>, %arg8: memref<3x128x128xf32, #tpu.memory_space<vmem>>, %arg9: memref<3x128x128xf32, #tpu.memory_space<vmem>>, %arg10: memref<!tpu.dma_semaphore, #tpu.memory_space<semaphore_mem>>, %arg11: memref<!tpu.dma_semaphore, #tpu.memory_space<semaphore_mem>>, %arg12: memref<!tpu.dma_semaphore, #tpu.memory_space<semaphore_mem>>, %arg13: memref<!tpu.dma_semaphore, #tpu.memory_space<semaphore_mem>>, %arg14: memref<!tpu.dma_semaphore, #tpu.memory_space<semaphore_mem>>, %arg15: memref<!tpu.dma_semaphore, #tpu.memory_space<semaphore_mem>>, %arg16: memref<!tpu.dma_semaphore, #tpu.memory_space<semaphore_mem>>, %arg17: memref<!tpu.dma_semaphore, #tpu.memory_space<semaphore_mem>>, %arg18: memref<!tpu.dma_semaphore, #tpu.memory_space<semaphore_mem>>, %arg19: memref<!tpu.dma_semaphore, #tpu.memory_space<semaphore_mem>>, %arg20: memref<!tpu.dma_semaphore, #tpu.memory_space<semaphore_mem>>, %arg21: memref<!tpu.dma_semaphore, #tpu.memory_space<semaphore_mem>>) attributes {dimension_semantics = [#tpu.dimension_semantics<core_parallel>, #tpu.dimension_semantics<subcore_parallel>], iteration_bounds = array<i64: 2, 16>, scalar_prefetch = 0 : i64, scratch_operands = 15 : i64, tpu.core_type = #tpu.core_type<sc_vector_subcore>, window_params = [{transform_indices = #map}, {transform_indices = #map1}, {transform_indices = #map1}, {transform_indices = #map1}, {transform_indices = #map1}]} {
    %mul3A = arith.constant 16 : i32
    %mul3A_0 = arith.muli %arg0, %mul3A : i32
    %add3A = arith.addi %mul3A_0, %arg1 : i32
    %mul3A_1 = arith.constant 512 : i32
    %mul3A_2 = arith.muli %add3A, %mul3A_1 : i32
    "tpu.region"() ({
      %run_scoped3A = tpu.sem_alloc : memref<!tpu.dma_semaphore, #tpu.memory_space<semaphore_mem>>
      %dma_start3A_377 = tpu.memref_slice %arg2[%mul3A_2] : memref<16384xi32, #tpu.memory_space<hbm>> -> memref<512xi32, #tpu.memory_space<hbm>>
      %dma_start3A_378 = tpu.memref_slice %arg2[%mul3A_2] : memref<16384xi32, #tpu.memory_space<hbm>> -> memref<512xi32, #tpu.memory_space<hbm>>
      tpu.enqueue_dma source(%dma_start3A_378 : memref<512xi32, #tpu.memory_space<hbm>>) target(%arg7 : memref<512xi32, #tpu.memory_space<vmem>>) target_semaphore(%run_scoped3A : memref<!tpu.dma_semaphore, #tpu.memory_space<semaphore_mem>>)
      %dma_wait3A_379 = tpu.memref_slice %arg2[%mul3A_2] : memref<16384xi32, #tpu.memory_space<hbm>> -> memref<512xi32, #tpu.memory_space<hbm>>
      %dma_wait3A_380 = tpu.memref_slice %arg2[%mul3A_2] : memref<16384xi32, #tpu.memory_space<hbm>> -> memref<512xi32, #tpu.memory_space<hbm>>
      tpu.wait_dma2 semaphore(%run_scoped3A : memref<!tpu.dma_semaphore, #tpu.memory_space<semaphore_mem>>) src(%dma_wait3A_380 : memref<512xi32, #tpu.memory_space<hbm>>) dst(%arg7 : memref<512xi32, #tpu.memory_space<vmem>>)
      tpu.yield
    }) : () -> ()
    %dma_start3A = arith.constant 0 : i32
    %dma_start3A_3 = arith.constant 0 : i32
    %dma_start3A_4 = arith.constant 0 : i32
    %dma_start3A_5 = tpu.memref_slice %arg8[%dma_start3A, %dma_start3A_3, %dma_start3A_4] : memref<3x128x128xf32, #tpu.memory_space<vmem>> -> memref<1x128x128xf32, #tpu.memory_space<vmem>>
    %dma_start3A_6 = tpu.memref_squeeze %dma_start3A_5 : memref<1x128x128xf32, #tpu.memory_space<vmem>> -> memref<128x128xf32, #tpu.memory_space<vmem>>
    %dma_start3A_7 = arith.constant 0 : i32
    %dma_start3A_8 = tpu.memref_slice %arg7[%dma_start3A_7] : memref<512xi32, #tpu.memory_space<vmem>> -> memref<128xi32, #tpu.memory_space<vmem>>
    %dma_start3A_9 = arith.constant 0 : i32
    %dma_start3A_10 = arith.constant 0 : i32
    %dma_start3A_11 = tpu.memref_slice %arg3[%dma_start3A_9, %dma_start3A_10] : memref<100000x128xf32, #tpu.memory_space<hbm>> -> memref<100000x128xf32, #tpu.memory_space<hbm>>
    tpu.enqueue_indirect_dma source(%dma_start3A_11 : memref<100000x128xf32, #tpu.memory_space<hbm>>) target(%dma_start3A_6 : memref<128x128xf32, #tpu.memory_space<vmem>>) offsets(%dma_start3A_8 : memref<128xi32, #tpu.memory_space<vmem>>) semaphore(%arg10 : memref<!tpu.dma_semaphore, #tpu.memory_space<semaphore_mem>>)
    %dma_start3A_12 = arith.constant 0 : i32
    %dma_start3A_13 = arith.constant 0 : i32
    %dma_start3A_14 = arith.constant 0 : i32
    %dma_start3A_15 = tpu.memref_slice %arg9[%dma_start3A_12, %dma_start3A_13, %dma_start3A_14] : memref<3x128x128xf32, #tpu.memory_space<vmem>> -> memref<1x128x128xf32, #tpu.memory_space<vmem>>
    %dma_start3A_16 = tpu.memref_squeeze %dma_start3A_15 : memref<1x128x128xf32, #tpu.memory_space<vmem>> -> memref<128x128xf32, #tpu.memory_space<vmem>>
    %dma_start3A_17 = arith.constant 0 : i32
    %dma_start3A_18 = tpu.memref_slice %arg7[%dma_start3A_17] : memref<512xi32, #tpu.memory_space<vmem>> -> memref<128xi32, #tpu.memory_space<vmem>>
    %dma_start3A_19 = arith.constant 0 : i32
    %dma_start3A_20 = arith.constant 0 : i32
    %dma_start3A_21 = tpu.memref_slice %arg4[%dma_start3A_19, %dma_start3A_20] : memref<100000x128xf32, #tpu.memory_space<hbm>> -> memref<100000x128xf32, #tpu.memory_space<hbm>>
    tpu.enqueue_indirect_dma source(%dma_start3A_21 : memref<100000x128xf32, #tpu.memory_space<hbm>>) target(%dma_start3A_16 : memref<128x128xf32, #tpu.memory_space<vmem>>) offsets(%dma_start3A_18 : memref<128xi32, #tpu.memory_space<vmem>>) semaphore(%arg13 : memref<!tpu.dma_semaphore, #tpu.memory_space<semaphore_mem>>)
    %dma_start3A_22 = arith.constant 1 : i32
    %dma_start3A_23 = arith.constant 0 : i32
    %dma_start3A_24 = arith.constant 0 : i32
    %dma_start3A_25 = tpu.memref_slice %arg8[%dma_start3A_22, %dma_start3A_23, %dma_start3A_24] : memref<3x128x128xf32, #tpu.memory_space<vmem>> -> memref<1x128x128xf32, #tpu.memory_space<vmem>>
    %dma_start3A_26 = tpu.memref_squeeze %dma_start3A_25 : memref<1x128x128xf32, #tpu.memory_space<vmem>> -> memref<128x128xf32, #tpu.memory_space<vmem>>
    %dma_start3A_27 = arith.constant 128 : i32
    %dma_start3A_28 = tpu.memref_slice %arg7[%dma_start3A_27] : memref<512xi32, #tpu.memory_space<vmem>> -> memref<128xi32, #tpu.memory_space<vmem>>
    %dma_start3A_29 = arith.constant 0 : i32
    %dma_start3A_30 = arith.constant 0 : i32
    %dma_start3A_31 = tpu.memref_slice %arg3[%dma_start3A_29, %dma_start3A_30] : memref<100000x128xf32, #tpu.memory_space<hbm>> -> memref<100000x128xf32, #tpu.memory_space<hbm>>
    tpu.enqueue_indirect_dma source(%dma_start3A_31 : memref<100000x128xf32, #tpu.memory_space<hbm>>) target(%dma_start3A_26 : memref<128x128xf32, #tpu.memory_space<vmem>>) offsets(%dma_start3A_28 : memref<128xi32, #tpu.memory_space<vmem>>) semaphore(%arg11 : memref<!tpu.dma_semaphore, #tpu.memory_space<semaphore_mem>>)
    %dma_start3A_32 = arith.constant 1 : i32
    %dma_start3A_33 = arith.constant 0 : i32
    %dma_start3A_34 = arith.constant 0 : i32
    %dma_start3A_35 = tpu.memref_slice %arg9[%dma_start3A_32, %dma_start3A_33, %dma_start3A_34] : memref<3x128x128xf32, #tpu.memory_space<vmem>> -> memref<1x128x128xf32, #tpu.memory_space<vmem>>
    %dma_start3A_36 = tpu.memref_squeeze %dma_start3A_35 : memref<1x128x128xf32, #tpu.memory_space<vmem>> -> memref<128x128xf32, #tpu.memory_space<vmem>>
    %dma_start3A_37 = arith.constant 128 : i32
    %dma_start3A_38 = tpu.memref_slice %arg7[%dma_start3A_37] : memref<512xi32, #tpu.memory_space<vmem>> -> memref<128xi32, #tpu.memory_space<vmem>>
    %dma_start3A_39 = arith.constant 0 : i32
    %dma_start3A_40 = arith.constant 0 : i32
    %dma_start3A_41 = tpu.memref_slice %arg4[%dma_start3A_39, %dma_start3A_40] : memref<100000x128xf32, #tpu.memory_space<hbm>> -> memref<100000x128xf32, #tpu.memory_space<hbm>>
    tpu.enqueue_indirect_dma source(%dma_start3A_41 : memref<100000x128xf32, #tpu.memory_space<hbm>>) target(%dma_start3A_36 : memref<128x128xf32, #tpu.memory_space<vmem>>) offsets(%dma_start3A_38 : memref<128xi32, #tpu.memory_space<vmem>>) semaphore(%arg14 : memref<!tpu.dma_semaphore, #tpu.memory_space<semaphore_mem>>)
    %dma_start3A_42 = arith.constant 2 : i32
    %dma_start3A_43 = arith.constant 0 : i32
    %dma_start3A_44 = arith.constant 0 : i32
    %dma_start3A_45 = tpu.memref_slice %arg8[%dma_start3A_42, %dma_start3A_43, %dma_start3A_44] : memref<3x128x128xf32, #tpu.memory_space<vmem>> -> memref<1x128x128xf32, #tpu.memory_space<vmem>>
    %dma_start3A_46 = tpu.memref_squeeze %dma_start3A_45 : memref<1x128x128xf32, #tpu.memory_space<vmem>> -> memref<128x128xf32, #tpu.memory_space<vmem>>
    %dma_start3A_47 = arith.constant 256 : i32
    %dma_start3A_48 = tpu.memref_slice %arg7[%dma_start3A_47] : memref<512xi32, #tpu.memory_space<vmem>> -> memref<128xi32, #tpu.memory_space<vmem>>
    %dma_start3A_49 = arith.constant 0 : i32
    %dma_start3A_50 = arith.constant 0 : i32
    %dma_start3A_51 = tpu.memref_slice %arg3[%dma_start3A_49, %dma_start3A_50] : memref<100000x128xf32, #tpu.memory_space<hbm>> -> memref<100000x128xf32, #tpu.memory_space<hbm>>
    tpu.enqueue_indirect_dma source(%dma_start3A_51 : memref<100000x128xf32, #tpu.memory_space<hbm>>) target(%dma_start3A_46 : memref<128x128xf32, #tpu.memory_space<vmem>>) offsets(%dma_start3A_48 : memref<128xi32, #tpu.memory_space<vmem>>) semaphore(%arg12 : memref<!tpu.dma_semaphore, #tpu.memory_space<semaphore_mem>>)
    %dma_start3A_52 = arith.constant 2 : i32
    %dma_start3A_53 = arith.constant 0 : i32
    %dma_start3A_54 = arith.constant 0 : i32
    %dma_start3A_55 = tpu.memref_slice %arg9[%dma_start3A_52, %dma_start3A_53, %dma_start3A_54] : memref<3x128x128xf32, #tpu.memory_space<vmem>> -> memref<1x128x128xf32, #tpu.memory_space<vmem>>
    %dma_start3A_56 = tpu.memref_squeeze %dma_start3A_55 : memref<1x128x128xf32, #tpu.memory_space<vmem>> -> memref<128x128xf32, #tpu.memory_space<vmem>>
    %dma_start3A_57 = arith.constant 256 : i32
    %dma_start3A_58 = tpu.memref_slice %arg7[%dma_start3A_57] : memref<512xi32, #tpu.memory_space<vmem>> -> memref<128xi32, #tpu.memory_space<vmem>>
    %dma_start3A_59 = arith.constant 0 : i32
    %dma_start3A_60 = arith.constant 0 : i32
    %dma_start3A_61 = tpu.memref_slice %arg4[%dma_start3A_59, %dma_start3A_60] : memref<100000x128xf32, #tpu.memory_space<hbm>> -> memref<100000x128xf32, #tpu.memory_space<hbm>>
    tpu.enqueue_indirect_dma source(%dma_start3A_61 : memref<100000x128xf32, #tpu.memory_space<hbm>>) target(%dma_start3A_56 : memref<128x128xf32, #tpu.memory_space<vmem>>) offsets(%dma_start3A_58 : memref<128xi32, #tpu.memory_space<vmem>>) semaphore(%arg15 : memref<!tpu.dma_semaphore, #tpu.memory_space<semaphore_mem>>)
    %add3A_62 = arith.constant 0 : i32
    %add3A_63 = arith.addi %mul3A_2, %add3A_62 : i32
    %dma_wait3A = arith.constant 0 : i32
    %dma_wait3A_64 = arith.constant 0 : i32
    %dma_wait3A_65 = arith.constant 0 : i32
    %dma_wait3A_66 = tpu.memref_slice %arg8[%dma_wait3A, %dma_wait3A_64, %dma_wait3A_65] : memref<3x128x128xf32, #tpu.memory_space<vmem>> -> memref<1x128x128xf32, #tpu.memory_space<vmem>>
    %dma_wait3A_67 = tpu.memref_squeeze %dma_wait3A_66 : memref<1x128x128xf32, #tpu.memory_space<vmem>> -> memref<128x128xf32, #tpu.memory_space<vmem>>
    %dma_wait3A_68 = arith.constant 0 : i32
    %dma_wait3A_69 = tpu.memref_slice %arg7[%dma_wait3A_68] : memref<512xi32, #tpu.memory_space<vmem>> -> memref<128xi32, #tpu.memory_space<vmem>>
    %dma_wait3A_70 = arith.constant 0 : i32
    %dma_wait3A_71 = arith.constant 0 : i32
    %dma_wait3A_72 = tpu.memref_slice %arg3[%dma_wait3A_70, %dma_wait3A_71] : memref<100000x128xf32, #tpu.memory_space<hbm>> -> memref<100000x128xf32, #tpu.memory_space<hbm>>
    tpu.wait_indirect_dma semaphore(%arg10 : memref<!tpu.dma_semaphore, #tpu.memory_space<semaphore_mem>>) src(%dma_wait3A_72 : memref<100000x128xf32, #tpu.memory_space<hbm>>) dst(%dma_wait3A_67 : memref<128x128xf32, #tpu.memory_space<vmem>>)
    %dma_start3A_73 = arith.constant 0 : i32
    %dma_start3A_74 = arith.constant 0 : i32
    %dma_start3A_75 = arith.constant 0 : i32
    %dma_start3A_76 = tpu.memref_slice %arg8[%dma_start3A_73, %dma_start3A_74, %dma_start3A_75] : memref<3x128x128xf32, #tpu.memory_space<vmem>> -> memref<1x128x128xf32, #tpu.memory_space<vmem>>
    %dma_start3A_77 = tpu.memref_squeeze %dma_start3A_76 : memref<1x128x128xf32, #tpu.memory_space<vmem>> -> memref<128x128xf32, #tpu.memory_space<vmem>>
    %dma_start3A_78 = arith.constant 0 : i32
    %dma_start3A_79 = tpu.memref_slice %arg5[%add3A_63, %dma_start3A_78] : memref<16384x128xf32, #tpu.memory_space<hbm>> -> memref<128x128xf32, #tpu.memory_space<hbm>>
    %dma_start3A_80 = arith.constant 0 : i32
    %dma_start3A_81 = tpu.memref_slice %arg5[%add3A_63, %dma_start3A_80] : memref<16384x128xf32, #tpu.memory_space<hbm>> -> memref<128x128xf32, #tpu.memory_space<hbm>>
    %dma_start3A_82 = arith.constant 0 : i32
    %dma_start3A_83 = arith.constant 0 : i32
    %dma_start3A_84 = tpu.memref_slice %arg8[%dma_start3A_73, %dma_start3A_82, %dma_start3A_83] : memref<3x128x128xf32, #tpu.memory_space<vmem>> -> memref<1x128x128xf32, #tpu.memory_space<vmem>>
    %dma_start3A_85 = tpu.memref_squeeze %dma_start3A_84 : memref<1x128x128xf32, #tpu.memory_space<vmem>> -> memref<128x128xf32, #tpu.memory_space<vmem>>
    tpu.enqueue_dma source(%dma_start3A_85 : memref<128x128xf32, #tpu.memory_space<vmem>>) target(%dma_start3A_81 : memref<128x128xf32, #tpu.memory_space<hbm>>) target_semaphore(%arg16 : memref<!tpu.dma_semaphore, #tpu.memory_space<semaphore_mem>>)
    %dma_wait3A_86 = arith.constant 0 : i32
    %dma_wait3A_87 = arith.constant 0 : i32
    %dma_wait3A_88 = arith.constant 0 : i32
    %dma_wait3A_89 = tpu.memref_slice %arg9[%dma_wait3A_86, %dma_wait3A_87, %dma_wait3A_88] : memref<3x128x128xf32, #tpu.memory_space<vmem>> -> memref<1x128x128xf32, #tpu.memory_space<vmem>>
    %dma_wait3A_90 = tpu.memref_squeeze %dma_wait3A_89 : memref<1x128x128xf32, #tpu.memory_space<vmem>> -> memref<128x128xf32, #tpu.memory_space<vmem>>
    %dma_wait3A_91 = arith.constant 0 : i32
    %dma_wait3A_92 = tpu.memref_slice %arg7[%dma_wait3A_91] : memref<512xi32, #tpu.memory_space<vmem>> -> memref<128xi32, #tpu.memory_space<vmem>>
    %dma_wait3A_93 = arith.constant 0 : i32
    %dma_wait3A_94 = arith.constant 0 : i32
    %dma_wait3A_95 = tpu.memref_slice %arg4[%dma_wait3A_93, %dma_wait3A_94] : memref<100000x128xf32, #tpu.memory_space<hbm>> -> memref<100000x128xf32, #tpu.memory_space<hbm>>
    tpu.wait_indirect_dma semaphore(%arg13 : memref<!tpu.dma_semaphore, #tpu.memory_space<semaphore_mem>>) src(%dma_wait3A_95 : memref<100000x128xf32, #tpu.memory_space<hbm>>) dst(%dma_wait3A_90 : memref<128x128xf32, #tpu.memory_space<vmem>>)
    %dma_start3A_96 = arith.constant 0 : i32
    %dma_start3A_97 = arith.constant 0 : i32
    %dma_start3A_98 = arith.constant 0 : i32
    %dma_start3A_99 = tpu.memref_slice %arg9[%dma_start3A_96, %dma_start3A_97, %dma_start3A_98] : memref<3x128x128xf32, #tpu.memory_space<vmem>> -> memref<1x128x128xf32, #tpu.memory_space<vmem>>
    %dma_start3A_100 = tpu.memref_squeeze %dma_start3A_99 : memref<1x128x128xf32, #tpu.memory_space<vmem>> -> memref<128x128xf32, #tpu.memory_space<vmem>>
    %dma_start3A_101 = arith.constant 0 : i32
    %dma_start3A_102 = tpu.memref_slice %arg6[%add3A_63, %dma_start3A_101] : memref<16384x128xf32, #tpu.memory_space<hbm>> -> memref<128x128xf32, #tpu.memory_space<hbm>>
    %dma_start3A_103 = arith.constant 0 : i32
    %dma_start3A_104 = tpu.memref_slice %arg6[%add3A_63, %dma_start3A_103] : memref<16384x128xf32, #tpu.memory_space<hbm>> -> memref<128x128xf32, #tpu.memory_space<hbm>>
    %dma_start3A_105 = arith.constant 0 : i32
    %dma_start3A_106 = arith.constant 0 : i32
    %dma_start3A_107 = tpu.memref_slice %arg9[%dma_start3A_96, %dma_start3A_105, %dma_start3A_106] : memref<3x128x128xf32, #tpu.memory_space<vmem>> -> memref<1x128x128xf32, #tpu.memory_space<vmem>>
    %dma_start3A_108 = tpu.memref_squeeze %dma_start3A_107 : memref<1x128x128xf32, #tpu.memory_space<vmem>> -> memref<128x128xf32, #tpu.memory_space<vmem>>
    tpu.enqueue_dma source(%dma_start3A_108 : memref<128x128xf32, #tpu.memory_space<vmem>>) target(%dma_start3A_104 : memref<128x128xf32, #tpu.memory_space<hbm>>) target_semaphore(%arg19 : memref<!tpu.dma_semaphore, #tpu.memory_space<semaphore_mem>>)
    %dma_wait3A_109 = arith.constant 0 : i32
    %dma_wait3A_110 = arith.constant 0 : i32
    %dma_wait3A_111 = arith.constant 0 : i32
    %dma_wait3A_112 = tpu.memref_slice %arg8[%dma_wait3A_109, %dma_wait3A_110, %dma_wait3A_111] : memref<3x128x128xf32, #tpu.memory_space<vmem>> -> memref<1x128x128xf32, #tpu.memory_space<vmem>>
    %dma_wait3A_113 = tpu.memref_squeeze %dma_wait3A_112 : memref<1x128x128xf32, #tpu.memory_space<vmem>> -> memref<128x128xf32, #tpu.memory_space<vmem>>
    %dma_wait3A_114 = arith.constant 0 : i32
    %dma_wait3A_115 = tpu.memref_slice %arg5[%add3A_63, %dma_wait3A_114] : memref<16384x128xf32, #tpu.memory_space<hbm>> -> memref<128x128xf32, #tpu.memory_space<hbm>>
    %dma_wait3A_116 = arith.constant 0 : i32
    %dma_wait3A_117 = tpu.memref_slice %arg5[%add3A_63, %dma_wait3A_116] : memref<16384x128xf32, #tpu.memory_space<hbm>> -> memref<128x128xf32, #tpu.memory_space<hbm>>
    %dma_wait3A_118 = arith.constant 0 : i32
    %dma_wait3A_119 = arith.constant 0 : i32
    %dma_wait3A_120 = tpu.memref_slice %arg8[%dma_wait3A_109, %dma_wait3A_118, %dma_wait3A_119] : memref<3x128x128xf32, #tpu.memory_space<vmem>> -> memref<1x128x128xf32, #tpu.memory_space<vmem>>
    %dma_wait3A_121 = tpu.memref_squeeze %dma_wait3A_120 : memref<1x128x128xf32, #tpu.memory_space<vmem>> -> memref<128x128xf32, #tpu.memory_space<vmem>>
    tpu.wait_dma2 semaphore(%arg16 : memref<!tpu.dma_semaphore, #tpu.memory_space<semaphore_mem>>) src(%dma_wait3A_121 : memref<128x128xf32, #tpu.memory_space<vmem>>) dst(%dma_wait3A_117 : memref<128x128xf32, #tpu.memory_space<hbm>>)
    %dma_wait3A_122 = arith.constant 0 : i32
    %dma_wait3A_123 = arith.constant 0 : i32
    %dma_wait3A_124 = arith.constant 0 : i32
    %dma_wait3A_125 = tpu.memref_slice %arg9[%dma_wait3A_122, %dma_wait3A_123, %dma_wait3A_124] : memref<3x128x128xf32, #tpu.memory_space<vmem>> -> memref<1x128x128xf32, #tpu.memory_space<vmem>>
    %dma_wait3A_126 = tpu.memref_squeeze %dma_wait3A_125 : memref<1x128x128xf32, #tpu.memory_space<vmem>> -> memref<128x128xf32, #tpu.memory_space<vmem>>
    %dma_wait3A_127 = arith.constant 0 : i32
    %dma_wait3A_128 = tpu.memref_slice %arg6[%add3A_63, %dma_wait3A_127] : memref<16384x128xf32, #tpu.memory_space<hbm>> -> memref<128x128xf32, #tpu.memory_space<hbm>>
    %dma_wait3A_129 = arith.constant 0 : i32
    %dma_wait3A_130 = tpu.memref_slice %arg6[%add3A_63, %dma_wait3A_129] : memref<16384x128xf32, #tpu.memory_space<hbm>> -> memref<128x128xf32, #tpu.memory_space<hbm>>
    %dma_wait3A_131 = arith.constant 0 : i32
    %dma_wait3A_132 = arith.constant 0 : i32
    %dma_wait3A_133 = tpu.memref_slice %arg9[%dma_wait3A_122, %dma_wait3A_131, %dma_wait3A_132] : memref<3x128x128xf32, #tpu.memory_space<vmem>> -> memref<1x128x128xf32, #tpu.memory_space<vmem>>
    %dma_wait3A_134 = tpu.memref_squeeze %dma_wait3A_133 : memref<1x128x128xf32, #tpu.memory_space<vmem>> -> memref<128x128xf32, #tpu.memory_space<vmem>>
    tpu.wait_dma2 semaphore(%arg19 : memref<!tpu.dma_semaphore, #tpu.memory_space<semaphore_mem>>) src(%dma_wait3A_134 : memref<128x128xf32, #tpu.memory_space<vmem>>) dst(%dma_wait3A_130 : memref<128x128xf32, #tpu.memory_space<hbm>>)
    %dma_start3A_135 = arith.constant 0 : i32
    %dma_start3A_136 = arith.constant 0 : i32
    %dma_start3A_137 = arith.constant 0 : i32
    %dma_start3A_138 = tpu.memref_slice %arg8[%dma_start3A_135, %dma_start3A_136, %dma_start3A_137] : memref<3x128x128xf32, #tpu.memory_space<vmem>> -> memref<1x128x128xf32, #tpu.memory_space<vmem>>
    %dma_start3A_139 = tpu.memref_squeeze %dma_start3A_138 : memref<1x128x128xf32, #tpu.memory_space<vmem>> -> memref<128x128xf32, #tpu.memory_space<vmem>>
    %dma_start3A_140 = arith.constant 384 : i32
    %dma_start3A_141 = tpu.memref_slice %arg7[%dma_start3A_140] : memref<512xi32, #tpu.memory_space<vmem>> -> memref<128xi32, #tpu.memory_space<vmem>>
    %dma_start3A_142 = arith.constant 0 : i32
    %dma_start3A_143 = arith.constant 0 : i32
    %dma_start3A_144 = tpu.memref_slice %arg3[%dma_start3A_142, %dma_start3A_143] : memref<100000x128xf32, #tpu.memory_space<hbm>> -> memref<100000x128xf32, #tpu.memory_space<hbm>>
    tpu.enqueue_indirect_dma source(%dma_start3A_144 : memref<100000x128xf32, #tpu.memory_space<hbm>>) target(%dma_start3A_139 : memref<128x128xf32, #tpu.memory_space<vmem>>) offsets(%dma_start3A_141 : memref<128xi32, #tpu.memory_space<vmem>>) semaphore(%arg10 : memref<!tpu.dma_semaphore, #tpu.memory_space<semaphore_mem>>)
    %dma_start3A_145 = arith.constant 0 : i32
    %dma_start3A_146 = arith.constant 0 : i32
    %dma_start3A_147 = arith.constant 0 : i32
    %dma_start3A_148 = tpu.memref_slice %arg9[%dma_start3A_145, %dma_start3A_146, %dma_start3A_147] : memref<3x128x128xf32, #tpu.memory_space<vmem>> -> memref<1x128x128xf32, #tpu.memory_space<vmem>>
    %dma_start3A_149 = tpu.memref_squeeze %dma_start3A_148 : memref<1x128x128xf32, #tpu.memory_space<vmem>> -> memref<128x128xf32, #tpu.memory_space<vmem>>
    %dma_start3A_150 = arith.constant 384 : i32
    %dma_start3A_151 = tpu.memref_slice %arg7[%dma_start3A_150] : memref<512xi32, #tpu.memory_space<vmem>> -> memref<128xi32, #tpu.memory_space<vmem>>
    %dma_start3A_152 = arith.constant 0 : i32
    %dma_start3A_153 = arith.constant 0 : i32
    %dma_start3A_154 = tpu.memref_slice %arg4[%dma_start3A_152, %dma_start3A_153] : memref<100000x128xf32, #tpu.memory_space<hbm>> -> memref<100000x128xf32, #tpu.memory_space<hbm>>
    tpu.enqueue_indirect_dma source(%dma_start3A_154 : memref<100000x128xf32, #tpu.memory_space<hbm>>) target(%dma_start3A_149 : memref<128x128xf32, #tpu.memory_space<vmem>>) offsets(%dma_start3A_151 : memref<128xi32, #tpu.memory_space<vmem>>) semaphore(%arg13 : memref<!tpu.dma_semaphore, #tpu.memory_space<semaphore_mem>>)
    %add3A_155 = arith.constant 128 : i32
    %add3A_156 = arith.addi %mul3A_2, %add3A_155 : i32
    %dma_wait3A_157 = arith.constant 1 : i32
    %dma_wait3A_158 = arith.constant 0 : i32
    %dma_wait3A_159 = arith.constant 0 : i32
    %dma_wait3A_160 = tpu.memref_slice %arg8[%dma_wait3A_157, %dma_wait3A_158, %dma_wait3A_159] : memref<3x128x128xf32, #tpu.memory_space<vmem>> -> memref<1x128x128xf32, #tpu.memory_space<vmem>>
    %dma_wait3A_161 = tpu.memref_squeeze %dma_wait3A_160 : memref<1x128x128xf32, #tpu.memory_space<vmem>> -> memref<128x128xf32, #tpu.memory_space<vmem>>
    %dma_wait3A_162 = arith.constant 128 : i32
    %dma_wait3A_163 = tpu.memref_slice %arg7[%dma_wait3A_162] : memref<512xi32, #tpu.memory_space<vmem>> -> memref<128xi32, #tpu.memory_space<vmem>>
    %dma_wait3A_164 = arith.constant 0 : i32
    %dma_wait3A_165 = arith.constant 0 : i32
    %dma_wait3A_166 = tpu.memref_slice %arg3[%dma_wait3A_164, %dma_wait3A_165] : memref<100000x128xf32, #tpu.memory_space<hbm>> -> memref<100000x128xf32, #tpu.memory_space<hbm>>
    tpu.wait_indirect_dma semaphore(%arg11 : memref<!tpu.dma_semaphore, #tpu.memory_space<semaphore_mem>>) src(%dma_wait3A_166 : memref<100000x128xf32, #tpu.memory_space<hbm>>) dst(%dma_wait3A_161 : memref<128x128xf32, #tpu.memory_space<vmem>>)
    %dma_start3A_167 = arith.constant 1 : i32
    %dma_start3A_168 = arith.constant 0 : i32
    %dma_start3A_169 = arith.constant 0 : i32
    %dma_start3A_170 = tpu.memref_slice %arg8[%dma_start3A_167, %dma_start3A_168, %dma_start3A_169] : memref<3x128x128xf32, #tpu.memory_space<vmem>> -> memref<1x128x128xf32, #tpu.memory_space<vmem>>
    %dma_start3A_171 = tpu.memref_squeeze %dma_start3A_170 : memref<1x128x128xf32, #tpu.memory_space<vmem>> -> memref<128x128xf32, #tpu.memory_space<vmem>>
    %dma_start3A_172 = arith.constant 0 : i32
    %dma_start3A_173 = tpu.memref_slice %arg5[%add3A_156, %dma_start3A_172] : memref<16384x128xf32, #tpu.memory_space<hbm>> -> memref<128x128xf32, #tpu.memory_space<hbm>>
    %dma_start3A_174 = arith.constant 0 : i32
    %dma_start3A_175 = tpu.memref_slice %arg5[%add3A_156, %dma_start3A_174] : memref<16384x128xf32, #tpu.memory_space<hbm>> -> memref<128x128xf32, #tpu.memory_space<hbm>>
    %dma_start3A_176 = arith.constant 0 : i32
    %dma_start3A_177 = arith.constant 0 : i32
    %dma_start3A_178 = tpu.memref_slice %arg8[%dma_start3A_167, %dma_start3A_176, %dma_start3A_177] : memref<3x128x128xf32, #tpu.memory_space<vmem>> -> memref<1x128x128xf32, #tpu.memory_space<vmem>>
    %dma_start3A_179 = tpu.memref_squeeze %dma_start3A_178 : memref<1x128x128xf32, #tpu.memory_space<vmem>> -> memref<128x128xf32, #tpu.memory_space<vmem>>
    tpu.enqueue_dma source(%dma_start3A_179 : memref<128x128xf32, #tpu.memory_space<vmem>>) target(%dma_start3A_175 : memref<128x128xf32, #tpu.memory_space<hbm>>) target_semaphore(%arg17 : memref<!tpu.dma_semaphore, #tpu.memory_space<semaphore_mem>>)
    %dma_wait3A_180 = arith.constant 1 : i32
    %dma_wait3A_181 = arith.constant 0 : i32
    %dma_wait3A_182 = arith.constant 0 : i32
    %dma_wait3A_183 = tpu.memref_slice %arg9[%dma_wait3A_180, %dma_wait3A_181, %dma_wait3A_182] : memref<3x128x128xf32, #tpu.memory_space<vmem>> -> memref<1x128x128xf32, #tpu.memory_space<vmem>>
    %dma_wait3A_184 = tpu.memref_squeeze %dma_wait3A_183 : memref<1x128x128xf32, #tpu.memory_space<vmem>> -> memref<128x128xf32, #tpu.memory_space<vmem>>
    %dma_wait3A_185 = arith.constant 128 : i32
    %dma_wait3A_186 = tpu.memref_slice %arg7[%dma_wait3A_185] : memref<512xi32, #tpu.memory_space<vmem>> -> memref<128xi32, #tpu.memory_space<vmem>>
    %dma_wait3A_187 = arith.constant 0 : i32
    %dma_wait3A_188 = arith.constant 0 : i32
    %dma_wait3A_189 = tpu.memref_slice %arg4[%dma_wait3A_187, %dma_wait3A_188] : memref<100000x128xf32, #tpu.memory_space<hbm>> -> memref<100000x128xf32, #tpu.memory_space<hbm>>
    tpu.wait_indirect_dma semaphore(%arg14 : memref<!tpu.dma_semaphore, #tpu.memory_space<semaphore_mem>>) src(%dma_wait3A_189 : memref<100000x128xf32, #tpu.memory_space<hbm>>) dst(%dma_wait3A_184 : memref<128x128xf32, #tpu.memory_space<vmem>>)
    %dma_start3A_190 = arith.constant 1 : i32
    %dma_start3A_191 = arith.constant 0 : i32
    %dma_start3A_192 = arith.constant 0 : i32
    %dma_start3A_193 = tpu.memref_slice %arg9[%dma_start3A_190, %dma_start3A_191, %dma_start3A_192] : memref<3x128x128xf32, #tpu.memory_space<vmem>> -> memref<1x128x128xf32, #tpu.memory_space<vmem>>
    %dma_start3A_194 = tpu.memref_squeeze %dma_start3A_193 : memref<1x128x128xf32, #tpu.memory_space<vmem>> -> memref<128x128xf32, #tpu.memory_space<vmem>>
    %dma_start3A_195 = arith.constant 0 : i32
    %dma_start3A_196 = tpu.memref_slice %arg6[%add3A_156, %dma_start3A_195] : memref<16384x128xf32, #tpu.memory_space<hbm>> -> memref<128x128xf32, #tpu.memory_space<hbm>>
    %dma_start3A_197 = arith.constant 0 : i32
    %dma_start3A_198 = tpu.memref_slice %arg6[%add3A_156, %dma_start3A_197] : memref<16384x128xf32, #tpu.memory_space<hbm>> -> memref<128x128xf32, #tpu.memory_space<hbm>>
    %dma_start3A_199 = arith.constant 0 : i32
    %dma_start3A_200 = arith.constant 0 : i32
    %dma_start3A_201 = tpu.memref_slice %arg9[%dma_start3A_190, %dma_start3A_199, %dma_start3A_200] : memref<3x128x128xf32, #tpu.memory_space<vmem>> -> memref<1x128x128xf32, #tpu.memory_space<vmem>>
    %dma_start3A_202 = tpu.memref_squeeze %dma_start3A_201 : memref<1x128x128xf32, #tpu.memory_space<vmem>> -> memref<128x128xf32, #tpu.memory_space<vmem>>
    tpu.enqueue_dma source(%dma_start3A_202 : memref<128x128xf32, #tpu.memory_space<vmem>>) target(%dma_start3A_198 : memref<128x128xf32, #tpu.memory_space<hbm>>) target_semaphore(%arg20 : memref<!tpu.dma_semaphore, #tpu.memory_space<semaphore_mem>>)
    %add3A_203 = arith.constant 256 : i32
    %add3A_204 = arith.addi %mul3A_2, %add3A_203 : i32
    %dma_wait3A_205 = arith.constant 2 : i32
    %dma_wait3A_206 = arith.constant 0 : i32
    %dma_wait3A_207 = arith.constant 0 : i32
    %dma_wait3A_208 = tpu.memref_slice %arg8[%dma_wait3A_205, %dma_wait3A_206, %dma_wait3A_207] : memref<3x128x128xf32, #tpu.memory_space<vmem>> -> memref<1x128x128xf32, #tpu.memory_space<vmem>>
    %dma_wait3A_209 = tpu.memref_squeeze %dma_wait3A_208 : memref<1x128x128xf32, #tpu.memory_space<vmem>> -> memref<128x128xf32, #tpu.memory_space<vmem>>
    %dma_wait3A_210 = arith.constant 256 : i32
    %dma_wait3A_211 = tpu.memref_slice %arg7[%dma_wait3A_210] : memref<512xi32, #tpu.memory_space<vmem>> -> memref<128xi32, #tpu.memory_space<vmem>>
    %dma_wait3A_212 = arith.constant 0 : i32
    %dma_wait3A_213 = arith.constant 0 : i32
    %dma_wait3A_214 = tpu.memref_slice %arg3[%dma_wait3A_212, %dma_wait3A_213] : memref<100000x128xf32, #tpu.memory_space<hbm>> -> memref<100000x128xf32, #tpu.memory_space<hbm>>
    tpu.wait_indirect_dma semaphore(%arg12 : memref<!tpu.dma_semaphore, #tpu.memory_space<semaphore_mem>>) src(%dma_wait3A_214 : memref<100000x128xf32, #tpu.memory_space<hbm>>) dst(%dma_wait3A_209 : memref<128x128xf32, #tpu.memory_space<vmem>>)
    %dma_start3A_215 = arith.constant 2 : i32
    %dma_start3A_216 = arith.constant 0 : i32
    %dma_start3A_217 = arith.constant 0 : i32
    %dma_start3A_218 = tpu.memref_slice %arg8[%dma_start3A_215, %dma_start3A_216, %dma_start3A_217] : memref<3x128x128xf32, #tpu.memory_space<vmem>> -> memref<1x128x128xf32, #tpu.memory_space<vmem>>
    %dma_start3A_219 = tpu.memref_squeeze %dma_start3A_218 : memref<1x128x128xf32, #tpu.memory_space<vmem>> -> memref<128x128xf32, #tpu.memory_space<vmem>>
    %dma_start3A_220 = arith.constant 0 : i32
    %dma_start3A_221 = tpu.memref_slice %arg5[%add3A_204, %dma_start3A_220] : memref<16384x128xf32, #tpu.memory_space<hbm>> -> memref<128x128xf32, #tpu.memory_space<hbm>>
    %dma_start3A_222 = arith.constant 0 : i32
    %dma_start3A_223 = tpu.memref_slice %arg5[%add3A_204, %dma_start3A_222] : memref<16384x128xf32, #tpu.memory_space<hbm>> -> memref<128x128xf32, #tpu.memory_space<hbm>>
    %dma_start3A_224 = arith.constant 0 : i32
    %dma_start3A_225 = arith.constant 0 : i32
    %dma_start3A_226 = tpu.memref_slice %arg8[%dma_start3A_215, %dma_start3A_224, %dma_start3A_225] : memref<3x128x128xf32, #tpu.memory_space<vmem>> -> memref<1x128x128xf32, #tpu.memory_space<vmem>>
    %dma_start3A_227 = tpu.memref_squeeze %dma_start3A_226 : memref<1x128x128xf32, #tpu.memory_space<vmem>> -> memref<128x128xf32, #tpu.memory_space<vmem>>
    tpu.enqueue_dma source(%dma_start3A_227 : memref<128x128xf32, #tpu.memory_space<vmem>>) target(%dma_start3A_223 : memref<128x128xf32, #tpu.memory_space<hbm>>) target_semaphore(%arg18 : memref<!tpu.dma_semaphore, #tpu.memory_space<semaphore_mem>>)
    %dma_wait3A_228 = arith.constant 2 : i32
    %dma_wait3A_229 = arith.constant 0 : i32
    %dma_wait3A_230 = arith.constant 0 : i32
    %dma_wait3A_231 = tpu.memref_slice %arg9[%dma_wait3A_228, %dma_wait3A_229, %dma_wait3A_230] : memref<3x128x128xf32, #tpu.memory_space<vmem>> -> memref<1x128x128xf32, #tpu.memory_space<vmem>>
    %dma_wait3A_232 = tpu.memref_squeeze %dma_wait3A_231 : memref<1x128x128xf32, #tpu.memory_space<vmem>> -> memref<128x128xf32, #tpu.memory_space<vmem>>
    %dma_wait3A_233 = arith.constant 256 : i32
    %dma_wait3A_234 = tpu.memref_slice %arg7[%dma_wait3A_233] : memref<512xi32, #tpu.memory_space<vmem>> -> memref<128xi32, #tpu.memory_space<vmem>>
    %dma_wait3A_235 = arith.constant 0 : i32
    %dma_wait3A_236 = arith.constant 0 : i32
    %dma_wait3A_237 = tpu.memref_slice %arg4[%dma_wait3A_235, %dma_wait3A_236] : memref<100000x128xf32, #tpu.memory_space<hbm>> -> memref<100000x128xf32, #tpu.memory_space<hbm>>
    tpu.wait_indirect_dma semaphore(%arg15 : memref<!tpu.dma_semaphore, #tpu.memory_space<semaphore_mem>>) src(%dma_wait3A_237 : memref<100000x128xf32, #tpu.memory_space<hbm>>) dst(%dma_wait3A_232 : memref<128x128xf32, #tpu.memory_space<vmem>>)
    %dma_start3A_238 = arith.constant 2 : i32
    %dma_start3A_239 = arith.constant 0 : i32
    %dma_start3A_240 = arith.constant 0 : i32
    %dma_start3A_241 = tpu.memref_slice %arg9[%dma_start3A_238, %dma_start3A_239, %dma_start3A_240] : memref<3x128x128xf32, #tpu.memory_space<vmem>> -> memref<1x128x128xf32, #tpu.memory_space<vmem>>
    %dma_start3A_242 = tpu.memref_squeeze %dma_start3A_241 : memref<1x128x128xf32, #tpu.memory_space<vmem>> -> memref<128x128xf32, #tpu.memory_space<vmem>>
    %dma_start3A_243 = arith.constant 0 : i32
    %dma_start3A_244 = tpu.memref_slice %arg6[%add3A_204, %dma_start3A_243] : memref<16384x128xf32, #tpu.memory_space<hbm>> -> memref<128x128xf32, #tpu.memory_space<hbm>>
    %dma_start3A_245 = arith.constant 0 : i32
    %dma_start3A_246 = tpu.memref_slice %arg6[%add3A_204, %dma_start3A_245] : memref<16384x128xf32, #tpu.memory_space<hbm>> -> memref<128x128xf32, #tpu.memory_space<hbm>>
    %dma_start3A_247 = arith.constant 0 : i32
    %dma_start3A_248 = arith.constant 0 : i32
    %dma_start3A_249 = tpu.memref_slice %arg9[%dma_start3A_238, %dma_start3A_247, %dma_start3A_248] : memref<3x128x128xf32, #tpu.memory_space<vmem>> -> memref<1x128x128xf32, #tpu.memory_space<vmem>>
    %dma_start3A_250 = tpu.memref_squeeze %dma_start3A_249 : memref<1x128x128xf32, #tpu.memory_space<vmem>> -> memref<128x128xf32, #tpu.memory_space<vmem>>
    tpu.enqueue_dma source(%dma_start3A_250 : memref<128x128xf32, #tpu.memory_space<vmem>>) target(%dma_start3A_246 : memref<128x128xf32, #tpu.memory_space<hbm>>) target_semaphore(%arg21 : memref<!tpu.dma_semaphore, #tpu.memory_space<semaphore_mem>>)
    %add3A_251 = arith.constant 384 : i32
    %add3A_252 = arith.addi %mul3A_2, %add3A_251 : i32
    %dma_wait3A_253 = arith.constant 0 : i32
    %dma_wait3A_254 = arith.constant 0 : i32
    %dma_wait3A_255 = arith.constant 0 : i32
    %dma_wait3A_256 = tpu.memref_slice %arg8[%dma_wait3A_253, %dma_wait3A_254, %dma_wait3A_255] : memref<3x128x128xf32, #tpu.memory_space<vmem>> -> memref<1x128x128xf32, #tpu.memory_space<vmem>>
    %dma_wait3A_257 = tpu.memref_squeeze %dma_wait3A_256 : memref<1x128x128xf32, #tpu.memory_space<vmem>> -> memref<128x128xf32, #tpu.memory_space<vmem>>
    %dma_wait3A_258 = arith.constant 384 : i32
    %dma_wait3A_259 = tpu.memref_slice %arg7[%dma_wait3A_258] : memref<512xi32, #tpu.memory_space<vmem>> -> memref<128xi32, #tpu.memory_space<vmem>>
    %dma_wait3A_260 = arith.constant 0 : i32
    %dma_wait3A_261 = arith.constant 0 : i32
    %dma_wait3A_262 = tpu.memref_slice %arg3[%dma_wait3A_260, %dma_wait3A_261] : memref<100000x128xf32, #tpu.memory_space<hbm>> -> memref<100000x128xf32, #tpu.memory_space<hbm>>
    tpu.wait_indirect_dma semaphore(%arg10 : memref<!tpu.dma_semaphore, #tpu.memory_space<semaphore_mem>>) src(%dma_wait3A_262 : memref<100000x128xf32, #tpu.memory_space<hbm>>) dst(%dma_wait3A_257 : memref<128x128xf32, #tpu.memory_space<vmem>>)
    %dma_start3A_263 = arith.constant 0 : i32
    %dma_start3A_264 = arith.constant 0 : i32
    %dma_start3A_265 = arith.constant 0 : i32
    %dma_start3A_266 = tpu.memref_slice %arg8[%dma_start3A_263, %dma_start3A_264, %dma_start3A_265] : memref<3x128x128xf32, #tpu.memory_space<vmem>> -> memref<1x128x128xf32, #tpu.memory_space<vmem>>
    %dma_start3A_267 = tpu.memref_squeeze %dma_start3A_266 : memref<1x128x128xf32, #tpu.memory_space<vmem>> -> memref<128x128xf32, #tpu.memory_space<vmem>>
    %dma_start3A_268 = arith.constant 0 : i32
    %dma_start3A_269 = tpu.memref_slice %arg5[%add3A_252, %dma_start3A_268] : memref<16384x128xf32, #tpu.memory_space<hbm>> -> memref<128x128xf32, #tpu.memory_space<hbm>>
    %dma_start3A_270 = arith.constant 0 : i32
    %dma_start3A_271 = tpu.memref_slice %arg5[%add3A_252, %dma_start3A_270] : memref<16384x128xf32, #tpu.memory_space<hbm>> -> memref<128x128xf32, #tpu.memory_space<hbm>>
    %dma_start3A_272 = arith.constant 0 : i32
    %dma_start3A_273 = arith.constant 0 : i32
    %dma_start3A_274 = tpu.memref_slice %arg8[%dma_start3A_263, %dma_start3A_272, %dma_start3A_273] : memref<3x128x128xf32, #tpu.memory_space<vmem>> -> memref<1x128x128xf32, #tpu.memory_space<vmem>>
    %dma_start3A_275 = tpu.memref_squeeze %dma_start3A_274 : memref<1x128x128xf32, #tpu.memory_space<vmem>> -> memref<128x128xf32, #tpu.memory_space<vmem>>
    tpu.enqueue_dma source(%dma_start3A_275 : memref<128x128xf32, #tpu.memory_space<vmem>>) target(%dma_start3A_271 : memref<128x128xf32, #tpu.memory_space<hbm>>) target_semaphore(%arg16 : memref<!tpu.dma_semaphore, #tpu.memory_space<semaphore_mem>>)
    %dma_wait3A_276 = arith.constant 0 : i32
    %dma_wait3A_277 = arith.constant 0 : i32
    %dma_wait3A_278 = arith.constant 0 : i32
    %dma_wait3A_279 = tpu.memref_slice %arg9[%dma_wait3A_276, %dma_wait3A_277, %dma_wait3A_278] : memref<3x128x128xf32, #tpu.memory_space<vmem>> -> memref<1x128x128xf32, #tpu.memory_space<vmem>>
    %dma_wait3A_280 = tpu.memref_squeeze %dma_wait3A_279 : memref<1x128x128xf32, #tpu.memory_space<vmem>> -> memref<128x128xf32, #tpu.memory_space<vmem>>
    %dma_wait3A_281 = arith.constant 384 : i32
    %dma_wait3A_282 = tpu.memref_slice %arg7[%dma_wait3A_281] : memref<512xi32, #tpu.memory_space<vmem>> -> memref<128xi32, #tpu.memory_space<vmem>>
    %dma_wait3A_283 = arith.constant 0 : i32
    %dma_wait3A_284 = arith.constant 0 : i32
    %dma_wait3A_285 = tpu.memref_slice %arg4[%dma_wait3A_283, %dma_wait3A_284] : memref<100000x128xf32, #tpu.memory_space<hbm>> -> memref<100000x128xf32, #tpu.memory_space<hbm>>
    tpu.wait_indirect_dma semaphore(%arg13 : memref<!tpu.dma_semaphore, #tpu.memory_space<semaphore_mem>>) src(%dma_wait3A_285 : memref<100000x128xf32, #tpu.memory_space<hbm>>) dst(%dma_wait3A_280 : memref<128x128xf32, #tpu.memory_space<vmem>>)
    %dma_start3A_286 = arith.constant 0 : i32
    %dma_start3A_287 = arith.constant 0 : i32
    %dma_start3A_288 = arith.constant 0 : i32
    %dma_start3A_289 = tpu.memref_slice %arg9[%dma_start3A_286, %dma_start3A_287, %dma_start3A_288] : memref<3x128x128xf32, #tpu.memory_space<vmem>> -> memref<1x128x128xf32, #tpu.memory_space<vmem>>
    %dma_start3A_290 = tpu.memref_squeeze %dma_start3A_289 : memref<1x128x128xf32, #tpu.memory_space<vmem>> -> memref<128x128xf32, #tpu.memory_space<vmem>>
    %dma_start3A_291 = arith.constant 0 : i32
    %dma_start3A_292 = tpu.memref_slice %arg6[%add3A_252, %dma_start3A_291] : memref<16384x128xf32, #tpu.memory_space<hbm>> -> memref<128x128xf32, #tpu.memory_space<hbm>>
    %dma_start3A_293 = arith.constant 0 : i32
    %dma_start3A_294 = tpu.memref_slice %arg6[%add3A_252, %dma_start3A_293] : memref<16384x128xf32, #tpu.memory_space<hbm>> -> memref<128x128xf32, #tpu.memory_space<hbm>>
    %dma_start3A_295 = arith.constant 0 : i32
    %dma_start3A_296 = arith.constant 0 : i32
    %dma_start3A_297 = tpu.memref_slice %arg9[%dma_start3A_286, %dma_start3A_295, %dma_start3A_296] : memref<3x128x128xf32, #tpu.memory_space<vmem>> -> memref<1x128x128xf32, #tpu.memory_space<vmem>>
    %dma_start3A_298 = tpu.memref_squeeze %dma_start3A_297 : memref<1x128x128xf32, #tpu.memory_space<vmem>> -> memref<128x128xf32, #tpu.memory_space<vmem>>
    tpu.enqueue_dma source(%dma_start3A_298 : memref<128x128xf32, #tpu.memory_space<vmem>>) target(%dma_start3A_294 : memref<128x128xf32, #tpu.memory_space<hbm>>) target_semaphore(%arg19 : memref<!tpu.dma_semaphore, #tpu.memory_space<semaphore_mem>>)
    %dma_wait3A_299 = arith.constant 1 : i32
    %dma_wait3A_300 = arith.constant 0 : i32
    %dma_wait3A_301 = arith.constant 0 : i32
    %dma_wait3A_302 = tpu.memref_slice %arg8[%dma_wait3A_299, %dma_wait3A_300, %dma_wait3A_301] : memref<3x128x128xf32, #tpu.memory_space<vmem>> -> memref<1x128x128xf32, #tpu.memory_space<vmem>>
    %dma_wait3A_303 = tpu.memref_squeeze %dma_wait3A_302 : memref<1x128x128xf32, #tpu.memory_space<vmem>> -> memref<128x128xf32, #tpu.memory_space<vmem>>
    %dma_wait3A_304 = arith.constant 0 : i32
    %dma_wait3A_305 = tpu.memref_slice %arg5[%add3A_156, %dma_wait3A_304] : memref<16384x128xf32, #tpu.memory_space<hbm>> -> memref<128x128xf32, #tpu.memory_space<hbm>>
    %dma_wait3A_306 = arith.constant 0 : i32
    %dma_wait3A_307 = tpu.memref_slice %arg5[%add3A_156, %dma_wait3A_306] : memref<16384x128xf32, #tpu.memory_space<hbm>> -> memref<128x128xf32, #tpu.memory_space<hbm>>
    %dma_wait3A_308 = arith.constant 0 : i32
    %dma_wait3A_309 = arith.constant 0 : i32
    %dma_wait3A_310 = tpu.memref_slice %arg8[%dma_wait3A_299, %dma_wait3A_308, %dma_wait3A_309] : memref<3x128x128xf32, #tpu.memory_space<vmem>> -> memref<1x128x128xf32, #tpu.memory_space<vmem>>
    %dma_wait3A_311 = tpu.memref_squeeze %dma_wait3A_310 : memref<1x128x128xf32, #tpu.memory_space<vmem>> -> memref<128x128xf32, #tpu.memory_space<vmem>>
    tpu.wait_dma2 semaphore(%arg17 : memref<!tpu.dma_semaphore, #tpu.memory_space<semaphore_mem>>) src(%dma_wait3A_311 : memref<128x128xf32, #tpu.memory_space<vmem>>) dst(%dma_wait3A_307 : memref<128x128xf32, #tpu.memory_space<hbm>>)
    %dma_wait3A_312 = arith.constant 1 : i32
    %dma_wait3A_313 = arith.constant 0 : i32
    %dma_wait3A_314 = arith.constant 0 : i32
    %dma_wait3A_315 = tpu.memref_slice %arg9[%dma_wait3A_312, %dma_wait3A_313, %dma_wait3A_314] : memref<3x128x128xf32, #tpu.memory_space<vmem>> -> memref<1x128x128xf32, #tpu.memory_space<vmem>>
    %dma_wait3A_316 = tpu.memref_squeeze %dma_wait3A_315 : memref<1x128x128xf32, #tpu.memory_space<vmem>> -> memref<128x128xf32, #tpu.memory_space<vmem>>
    %dma_wait3A_317 = arith.constant 0 : i32
    %dma_wait3A_318 = tpu.memref_slice %arg6[%add3A_156, %dma_wait3A_317] : memref<16384x128xf32, #tpu.memory_space<hbm>> -> memref<128x128xf32, #tpu.memory_space<hbm>>
    %dma_wait3A_319 = arith.constant 0 : i32
    %dma_wait3A_320 = tpu.memref_slice %arg6[%add3A_156, %dma_wait3A_319] : memref<16384x128xf32, #tpu.memory_space<hbm>> -> memref<128x128xf32, #tpu.memory_space<hbm>>
    %dma_wait3A_321 = arith.constant 0 : i32
    %dma_wait3A_322 = arith.constant 0 : i32
    %dma_wait3A_323 = tpu.memref_slice %arg9[%dma_wait3A_312, %dma_wait3A_321, %dma_wait3A_322] : memref<3x128x128xf32, #tpu.memory_space<vmem>> -> memref<1x128x128xf32, #tpu.memory_space<vmem>>
    %dma_wait3A_324 = tpu.memref_squeeze %dma_wait3A_323 : memref<1x128x128xf32, #tpu.memory_space<vmem>> -> memref<128x128xf32, #tpu.memory_space<vmem>>
    tpu.wait_dma2 semaphore(%arg20 : memref<!tpu.dma_semaphore, #tpu.memory_space<semaphore_mem>>) src(%dma_wait3A_324 : memref<128x128xf32, #tpu.memory_space<vmem>>) dst(%dma_wait3A_320 : memref<128x128xf32, #tpu.memory_space<hbm>>)
    %dma_wait3A_325 = arith.constant 2 : i32
    %dma_wait3A_326 = arith.constant 0 : i32
    %dma_wait3A_327 = arith.constant 0 : i32
    %dma_wait3A_328 = tpu.memref_slice %arg8[%dma_wait3A_325, %dma_wait3A_326, %dma_wait3A_327] : memref<3x128x128xf32, #tpu.memory_space<vmem>> -> memref<1x128x128xf32, #tpu.memory_space<vmem>>
    %dma_wait3A_329 = tpu.memref_squeeze %dma_wait3A_328 : memref<1x128x128xf32, #tpu.memory_space<vmem>> -> memref<128x128xf32, #tpu.memory_space<vmem>>
    %dma_wait3A_330 = arith.constant 0 : i32
    %dma_wait3A_331 = tpu.memref_slice %arg5[%add3A_204, %dma_wait3A_330] : memref<16384x128xf32, #tpu.memory_space<hbm>> -> memref<128x128xf32, #tpu.memory_space<hbm>>
    %dma_wait3A_332 = arith.constant 0 : i32
    %dma_wait3A_333 = tpu.memref_slice %arg5[%add3A_204, %dma_wait3A_332] : memref<16384x128xf32, #tpu.memory_space<hbm>> -> memref<128x128xf32, #tpu.memory_space<hbm>>
    %dma_wait3A_334 = arith.constant 0 : i32
    %dma_wait3A_335 = arith.constant 0 : i32
    %dma_wait3A_336 = tpu.memref_slice %arg8[%dma_wait3A_325, %dma_wait3A_334, %dma_wait3A_335] : memref<3x128x128xf32, #tpu.memory_space<vmem>> -> memref<1x128x128xf32, #tpu.memory_space<vmem>>
    %dma_wait3A_337 = tpu.memref_squeeze %dma_wait3A_336 : memref<1x128x128xf32, #tpu.memory_space<vmem>> -> memref<128x128xf32, #tpu.memory_space<vmem>>
    tpu.wait_dma2 semaphore(%arg18 : memref<!tpu.dma_semaphore, #tpu.memory_space<semaphore_mem>>) src(%dma_wait3A_337 : memref<128x128xf32, #tpu.memory_space<vmem>>) dst(%dma_wait3A_333 : memref<128x128xf32, #tpu.memory_space<hbm>>)
    %dma_wait3A_338 = arith.constant 2 : i32
    %dma_wait3A_339 = arith.constant 0 : i32
    %dma_wait3A_340 = arith.constant 0 : i32
    %dma_wait3A_341 = tpu.memref_slice %arg9[%dma_wait3A_338, %dma_wait3A_339, %dma_wait3A_340] : memref<3x128x128xf32, #tpu.memory_space<vmem>> -> memref<1x128x128xf32, #tpu.memory_space<vmem>>
    %dma_wait3A_342 = tpu.memref_squeeze %dma_wait3A_341 : memref<1x128x128xf32, #tpu.memory_space<vmem>> -> memref<128x128xf32, #tpu.memory_space<vmem>>
    %dma_wait3A_343 = arith.constant 0 : i32
    %dma_wait3A_344 = tpu.memref_slice %arg6[%add3A_204, %dma_wait3A_343] : memref<16384x128xf32, #tpu.memory_space<hbm>> -> memref<128x128xf32, #tpu.memory_space<hbm>>
    %dma_wait3A_345 = arith.constant 0 : i32
    %dma_wait3A_346 = tpu.memref_slice %arg6[%add3A_204, %dma_wait3A_345] : memref<16384x128xf32, #tpu.memory_space<hbm>> -> memref<128x128xf32, #tpu.memory_space<hbm>>
    %dma_wait3A_347 = arith.constant 0 : i32
    %dma_wait3A_348 = arith.constant 0 : i32
    %dma_wait3A_349 = tpu.memref_slice %arg9[%dma_wait3A_338, %dma_wait3A_347, %dma_wait3A_348] : memref<3x128x128xf32, #tpu.memory_space<vmem>> -> memref<1x128x128xf32, #tpu.memory_space<vmem>>
    %dma_wait3A_350 = tpu.memref_squeeze %dma_wait3A_349 : memref<1x128x128xf32, #tpu.memory_space<vmem>> -> memref<128x128xf32, #tpu.memory_space<vmem>>
    tpu.wait_dma2 semaphore(%arg21 : memref<!tpu.dma_semaphore, #tpu.memory_space<semaphore_mem>>) src(%dma_wait3A_350 : memref<128x128xf32, #tpu.memory_space<vmem>>) dst(%dma_wait3A_346 : memref<128x128xf32, #tpu.memory_space<hbm>>)
    %dma_wait3A_351 = arith.constant 0 : i32
    %dma_wait3A_352 = arith.constant 0 : i32
    %dma_wait3A_353 = arith.constant 0 : i32
    %dma_wait3A_354 = tpu.memref_slice %arg8[%dma_wait3A_351, %dma_wait3A_352, %dma_wait3A_353] : memref<3x128x128xf32, #tpu.memory_space<vmem>> -> memref<1x128x128xf32, #tpu.memory_space<vmem>>
    %dma_wait3A_355 = tpu.memref_squeeze %dma_wait3A_354 : memref<1x128x128xf32, #tpu.memory_space<vmem>> -> memref<128x128xf32, #tpu.memory_space<vmem>>
    %dma_wait3A_356 = arith.constant 0 : i32
    %dma_wait3A_357 = tpu.memref_slice %arg5[%add3A_252, %dma_wait3A_356] : memref<16384x128xf32, #tpu.memory_space<hbm>> -> memref<128x128xf32, #tpu.memory_space<hbm>>
    %dma_wait3A_358 = arith.constant 0 : i32
    %dma_wait3A_359 = tpu.memref_slice %arg5[%add3A_252, %dma_wait3A_358] : memref<16384x128xf32, #tpu.memory_space<hbm>> -> memref<128x128xf32, #tpu.memory_space<hbm>>
    %dma_wait3A_360 = arith.constant 0 : i32
    %dma_wait3A_361 = arith.constant 0 : i32
    %dma_wait3A_362 = tpu.memref_slice %arg8[%dma_wait3A_351, %dma_wait3A_360, %dma_wait3A_361] : memref<3x128x128xf32, #tpu.memory_space<vmem>> -> memref<1x128x128xf32, #tpu.memory_space<vmem>>
    %dma_wait3A_363 = tpu.memref_squeeze %dma_wait3A_362 : memref<1x128x128xf32, #tpu.memory_space<vmem>> -> memref<128x128xf32, #tpu.memory_space<vmem>>
    tpu.wait_dma2 semaphore(%arg16 : memref<!tpu.dma_semaphore, #tpu.memory_space<semaphore_mem>>) src(%dma_wait3A_363 : memref<128x128xf32, #tpu.memory_space<vmem>>) dst(%dma_wait3A_359 : memref<128x128xf32, #tpu.memory_space<hbm>>)
    %dma_wait3A_364 = arith.constant 0 : i32
    %dma_wait3A_365 = arith.constant 0 : i32
    %dma_wait3A_366 = arith.constant 0 : i32
    %dma_wait3A_367 = tpu.memref_slice %arg9[%dma_wait3A_364, %dma_wait3A_365, %dma_wait3A_366] : memref<3x128x128xf32, #tpu.memory_space<vmem>> -> memref<1x128x128xf32, #tpu.memory_space<vmem>>
    %dma_wait3A_368 = tpu.memref_squeeze %dma_wait3A_367 : memref<1x128x128xf32, #tpu.memory_space<vmem>> -> memref<128x128xf32, #tpu.memory_space<vmem>>
    %dma_wait3A_369 = arith.constant 0 : i32
    %dma_wait3A_370 = tpu.memref_slice %arg6[%add3A_252, %dma_wait3A_369] : memref<16384x128xf32, #tpu.memory_space<hbm>> -> memref<128x128xf32, #tpu.memory_space<hbm>>
    %dma_wait3A_371 = arith.constant 0 : i32
    %dma_wait3A_372 = tpu.memref_slice %arg6[%add3A_252, %dma_wait3A_371] : memref<16384x128xf32, #tpu.memory_space<hbm>> -> memref<128x128xf32, #tpu.memory_space<hbm>>
    %dma_wait3A_373 = arith.constant 0 : i32
    %dma_wait3A_374 = arith.constant 0 : i32
    %dma_wait3A_375 = tpu.memref_slice %arg9[%dma_wait3A_364, %dma_wait3A_373, %dma_wait3A_374] : memref<3x128x128xf32, #tpu.memory_space<vmem>> -> memref<1x128x128xf32, #tpu.memory_space<vmem>>
    %dma_wait3A_376 = tpu.memref_squeeze %dma_wait3A_375 : memref<1x128x128xf32, #tpu.memory_space<vmem>> -> memref<128x128xf32, #tpu.memory_space<vmem>>
    tpu.wait_dma2 semaphore(%arg19 : memref<!tpu.dma_semaphore, #tpu.memory_space<semaphore_mem>>) src(%dma_wait3A_376 : memref<128x128xf32, #tpu.memory_space<vmem>>) dst(%dma_wait3A_372 : memref<128x128xf32, #tpu.memory_space<hbm>>)
    return
  }
}

</mosaic_0001>

<sc_bundles>
// kernel: kernel.3.cloned.1.call-start
scs
__scs_entry_jumppad:
0x0: {  	(pc) =	sbr.rel $0x88, $3  }
0x1: {  	(tag) =	ssettag $0x0;
	lr =	simm.s32 $0x1  }
0x2: {  	[smem:$0x3F9E] =	sst lr;
	_ =	strace $0xD0000000  }
0x3: {  	_ = 	snop  }
0x4: {  	_ = 	snop  }
0x5: {  	_ = 	snop  }
0x6: {  	_ = 	snop  }
0x7: {  	_ = 	snop  }
__scs_overlays_trampoline_lowered:
0x8: {  	[smem:$0x3FAD] =	sst s0  }
0x9: {  	[smem:$0x3FAE] =	sst s1  }
0xa: {  	[smem:$0x3FAF] =	sst s2  }
0xb: {  	[smem:$0x3FB0] =	sst s3  }
0xc: {  	[smem:$0x3FB1] =	sst s4  }
0xd: {  	[smem:$0x3FB2] =	sst s5  }
0xe: {  	[smem:$0x3FB3] =	sst s6  }
0xf: {  	[smem:$0x3FB4] =	sst s7  }
0x10: {  	[smem:$0x3FB5] =	sst s8  }
0x11: {  	[smem:$0x3FB6] =	sst s9;
	s0 =	simm.s32 @!p0 $0x0  }
0x12: {  	s1 =	sld [smem:$0x3F9C];
	s0 =	simm.s32 @p0 $0x1  }
0x13: {  	[smem:$0x3FB7] =	sst s0;
	s0 =	simm.s32 @!p1 $0x0  }
0x14: {  	s2 =	sld [smem:$0x3F9B];
	s0 =	simm.s32 @p1 $0x1  }
0x15: {  	[smem:$0x3FB8] =	sst s0;
	s0 =	simm.s32 @!p2 $0x0  }
0x16: {  	s3 =	sld [smem:$0x3FDB];
	s0 =	simm.s32 @p2 $0x1  }
0x17: {  	s4 =	simm.s32 $0x1BF5;
	[smem:$0x3FBA] =	sst s0  }
0x18: {  	s0 =	sld [smem:$0x3F9D];
	_ =	swait.ge [sflag:s4], $0x0  }
0x19: {  	s7 =	sld [smem:$0x3F9E]  }
0x1a: {  	s8 =	sadd.s32 $0xFFFFE003, lr  }
0x1b: {  	s9 =	sadd.s32 $0xFFFFFEF7, lr;
	s5 =	simm.s32 $0xFFFFFFFF;
	p2 =	slt.u32 s8, $0xFFFFF086  }
0x1c: {  	p1 =	slt.u32 s9, $0xF7A;
	s5 =	simm.s32 @!p2 $0x0  }
0x1d: {  	s5 =	simm.s32 @p1 $0x1;
	p0 =	seq.s32 s7, s2  }
0x1e: {  	s7 =	smul.u32 @!p0 $0xF7A, s2;
	p2 =	seq.s32 @!p0 s5, $0x0  }
0x1f: {  	s9 =	smul.u32 $0xF7A, s1;
	s8 =	simm.s32 @!p0 $0x1BF5;
	p2 =	por !p2, p0  }
0x20: {  	[sflag:s8] =	ssyncset.s32 @!p0 $0xFFFFF086;
	s6 =	sadd.s32 @!p0 s3, s7;
	s7 =	simm.s32 @!p0 $0x108  }
0x21: {  	s3 =	sadd.s32 s3, s9;
	s6 =	sadd.s32 @!p0 $0x88, s6;
	s7 =	simm.s32 @p2 $0x1082  }
0x22: {  	[simem:s7], [sflag:s8] =	dma.local @!p0 [hbm:s6], $0xF7A  }
0x23: {  	s9 =	sor.u32 $0xD0000000, s2;
	s6 =	simm.s32 $0x108;
	_ =	swait.ge @!p0 [sflag:s8], $0x0  }
0x24: {  	s3 =	sadd.s32 $0x88, s3;
	s6 =	simm.s32 @!p1 $0x1082;
	[sflag:s4] =	ssyncset.s32 $0xFFFFF086  }
0x25: {  	[simem:s6], [sflag:s4] =	dma.local [hbm:s3], $0xF7A  }
0x26: {  	[smem:$0x3F9E] =	sst s1;
	(tag) =	ssettag s2;
	_ =	strace s9  }
0x27: {  	s1 =	sld [smem:$0x3FAE]  }
0x28: {  	s2 =	sld [smem:$0x3FAF]  }
0x29: {  	s4 =	sld [smem:$0x3FB1]  }
0x2a: {  	p0 =	seq.s32 s5, $0x0;
	s5 =	sld [smem:$0x3FB2]  }
0x2b: {  	s6 =	sld [smem:$0x3FB3]  }
0x2c: {  	s7 =	sld [smem:$0x3FB4]  }
0x2d: {  	s3 =	simm.s32 $0x108;
	s8 =	sld [smem:$0x3FB5]  }
0x2e: {  	s3 =	simm.s32 @!p0 $0x1082;
	s9 =	sld [smem:$0x3FB6]  }
0x2f: {  	lr =	sadd.s32 s0, s3;
	s0 =	sld [smem:$0x3FAD]  }
0x30: {  	s3 =	sld [smem:$0x3FB0]  }
0x31: {  	[smem:$0x3FB9] =	sst s10  }
0x32: {  	s10 =	sld [smem:$0x3FB7];
	_ =	sdelay $0x3  }
0x33: {  	p0 =	seq.s32 s10, $0x1;
	s10 =	sld [smem:$0x3FB9];
	_ =	sdelay $0x3  }
0x34: {  	[smem:$0x3FB9] =	sst s10  }
0x35: {  	s10 =	sld [smem:$0x3FB8];
	_ =	sdelay $0x3  }
0x36: {  	p1 =	seq.s32 s10, $0x1;
	s10 =	sld [smem:$0x3FB9];
	_ =	sdelay $0x3  }
0x37: {  	[smem:$0x3FB9] =	sst s10  }
0x38: {  	s10 =	sld [smem:$0x3FBA]  }
0x39: {  	_ = 	snop;
	(pc) =	sbr.ind lr, $3  }
0x3a: {  	_ = 	snop  }
0x3b: {  	_ = 	snop  }
0x3c: {  	p2 =	seq.s32 s10, $0x1;
	s10 =	sld [smem:$0x3FB9]  }
0x3d: {  	_ =	shalt  }
0x3e: {  	_ =	shalt  }
0x3f: {  	_ =	shalt  }
0x40: {  	_ =	shalt  }
0x41: {  	_ =	shalt  }
0x42: {  	_ =	shalt  }
0x43: {  	_ =	shalt  }
0x44: {  	_ =	shalt  }
0x45: {  	_ =	shalt  }
0x46: {  	_ =	shalt  }
0x47: {  	_ =	shalt  }
0x48: {  	_ =	shalt  }
0x49: {  	_ =	shalt  }
0x4a: {  	_ =	shalt  }
0x4b: {  	_ =	shalt  }
0x4c: {  	_ =	shalt  }
0x4d: {  	_ =	shalt  }
0x4e: {  	_ =	shalt  }
0x4f: {  	_ =	shalt  }
0x50: {  	_ =	shalt  }
0x51: {  	_ =	shalt  }
0x52: {  	_ =	shalt  }
0x53: {  	_ =	shalt  }
0x54: {  	_ =	shalt  }
0x55: {  	_ =	shalt  }
0x56: {  	_ =	shalt  }
0x57: {  	_ =	shalt  }
0x58: {  	_ =	shalt  }
0x59: {  	_ =	shalt  }
0x5a: {  	_ =	shalt  }
0x5b: {  	_ =	shalt  }
0x5c: {  	_ =	shalt  }
0x5d: {  	_ =	shalt  }
0x5e: {  	_ =	shalt  }
0x5f: {  	_ =	shalt  }
0x60: {  	_ =	shalt  }
0x61: {  	_ =	shalt  }
0x62: {  	_ =	shalt  }
0x63: {  	_ =	shalt  }
0x64: {  	_ =	shalt  }
0x65: {  	_ =	shalt  }
0x66: {  	_ =	shalt  }
0x67: {  	_ =	shalt  }
0x68: {  	_ =	shalt  }
0x69: {  	_ =	shalt  }
0x6a: {  	_ =	shalt  }
0x6b: {  	_ =	shalt  }
0x6c: {  	_ =	shalt  }
0x6d: {  	_ =	shalt  }
0x6e: {  	_ =	shalt  }
0x6f: {  	_ =	shalt  }
0x70: {  	_ =	shalt  }
0x71: {  	_ =	shalt  }
0x72: {  	_ =	shalt  }
0x73: {  	_ =	shalt  }
0x74: {  	_ =	shalt  }
0x75: {  	_ =	shalt  }
0x76: {  	_ =	shalt  }
0x77: {  	_ =	shalt  }
0x78: {  	_ =	shalt  }
0x79: {  	_ =	shalt  }
0x7a: {  	_ =	shalt  }
0x7b: {  	_ =	shalt  }
0x7c: {  	_ =	shalt  }
0x7d: {  	_ =	shalt  }
0x7e: {  	_ =	shalt  }
0x7f: {  	_ =	shalt  }
0x80: {  	_ =	shalt  }
0x81: {  	_ =	shalt  }
0x82: {  	_ =	shalt  }
0x83: {  	_ =	shalt  }
0x84: {  	_ =	shalt  }
0x85: {  	_ =	shalt  }
0x86: {  	_ =	shalt  }
0x87: {  	_ =	shalt  }
.Lfunc_end0:
.L_simem_size_0:
called_computation_lowered:
.L_overlay_start_0:
0x88: {  	s2 =	sld [smem:$0x3FD9]  }
0x89: {  	s3 =	sld [smem:$0x3FFE];
	_ =	sdelay $0x1  }
0x8a: {  	s1 =	srdreg.scid  }
0x8b: {  	s0 =	sand.u32 $0x1, s1  }
0x8c: {  	s15 =	sshll.u32 s0, $0xA;
	s2 =	sadd.s32 s3, s2  }
0x8d: {  	s2 =	sadd.s32 s2, s15  }
0x8e: {  	[smem:$0x3FC5] =	sst s2  }
0x8f: {  	_ = 	snop  }
0x90: {  	s2 =	sld [smem:$0x3FD0]  }
0x91: {  	s16 =	sld [smem:$0x3FC9]  }
0x92: {  	s4 =	sld [smem:$0x3FC8]  }
0x93: {  	s6 =	simm.s32 $0xA;
	s7 =	simm.s32 $0x10;
	s5 =	sld [smem:$0x3FC7]  }
0x94: {  	[smem:s7], [sflag:s6] =	dma.local [hbm:s2], $0x1  }
0x95: {  	_ =	swait.eq [sflag:s6], $0x1  }
0x96: {  	[sflag:s6] =	ssyncset.done $0x0  }
0x97: {  	s17 =	sld [smem:$0x10];
	[sflag:s6] =	ssyncadd.s32 $0xFFFFFFFF  }
0x98: {  	s18 =	sld [smem:$0x11];
	(tm) =	ssettm $0x1  }
0x99: {  	s19 =	sld [smem:$0x3FFB];
	_ =	sdelay $0x3  }
0x9a: {  	_ =	strace s19  }
0x9b: {  	s7 =	sld [smem:$0x3FFC];
	_ =	sdelay $0x3  }
0x9c: {  	_ =	strace s7  }
0x9d: {  	s7 =	sld [smem:$0x3FFD];
	_ =	sdelay $0x3  }
0x9e: {  	_ =	strace s7  }
0x9f: {  	_ =	strace $0x8FFFFFFF  }
0xa0: {  	s20 =	sld [smem:$0x3FDB];
	_ =	sdelay $0x1  }
0xa1: {  	s8 =	simm.s32 $_scs_section_size  }
0xa2: {  	s9 =	simm.s32 $_size__tile_overlayer_lowered;
	s10 =	simm.s32 $_tile_overlayer_lowered  }
0xa3: {  	s23 =	simm.s32 $0x1BFF;
	s22 =	sshll.u32 s10, $0x1;
	s7 =	sadd.s32 s8, s20  }
0xa4: {  	s11 =	simm.s32 $0x0;
	s21 =	sshll.u32 s9, $0x1;
	s9 =	sadd.s32 s22, s7  }
0xa5: {  	[timem:s11], [sflag:s23] =	dma.local [hbm:s9], s21  }
0xa6: {  	_ =	swait.ge [sflag:s23], s21  }
0xa7: {  	s8 =	ssub.s32 $0x0, s21;
	[sflag:s23] =	ssyncset.done $0x0  }
0xa8: {  	[sflag:s23] =	ssyncadd.s32 s8;
	_ =	sdelay $0x1  }
0xa9: {  	s24 =	simm.s32 $0x1B8B  }
0xaa: {  	_ =	swait.ge [sflag:s24], $0x1  }
0xab: {  	[sflag:s24] =	ssyncset.done $0x0  }
0xac: {  	s25 =	simm.s32 $0x1B8E;
	[sflag:s24] =	ssyncadd.s32 $0xFFFFFFFF  }
0xad: {  	s26 =	simm.s32 $execute0_lowered;
	[smem:$0x3FD2] =	sst s25  }
0xae: {  	s8 =	sshll.u32 s26, $0x1;
	_ =	strace $0x80000046;
	[dreg:$0x1] =	wrdreg $0xFFFFFFFF  }
0xaf: {  	s28 =	simm.s32 $_size_execute0_lowered;
	s7 =	sadd.s32 s7, s8;
	[dreg:$0x0] =	wrdreg $0x0  }
0xb0: {  	s8 =	sshll.u32 s28, $0x1;
	[dreg:$0x2] =	wrdreg s7  }
0xb1: {  	[dreg:$0x3] =	wrdreg s8  }
0xb2: {  	[dreg:$0x4] =	wrdreg $0xC0  }
0xb3: {  	_ =	task [dreg:s11], $0x5FFFF  }
0xb4: {  	[dreg:$0x1] =	wrdreg $0xFFFFFFFF  }
0xb5: {  	[dreg:$0x0] =	wrdreg $0x60  }
0xb6: {  	[dreg:$0x2] =	wrdreg s16  }
0xb7: {  	[dreg:$0x3] =	wrdreg s4  }
0xb8: {  	[dreg:$0x4] =	wrdreg s5  }
0xb9: {  	[dreg:$0x5] =	wrdreg s17  }
0xba: {  	[dreg:$0x6] =	wrdreg s18  }
0xbb: {  	[dreg:$0x7] =	wrdreg $0x9  }
0xbc: {  	_ =	task.clear_ibuf [dreg:s11], $0x8FFFF;
	_ =	strace $0x90000046  }
0xbd: {  	s29 =	simm.s32 $0x9;
	_ =	strace $0x80000048  }
0xbe: {  	_ =	swait.ge [sflag:s29], $0x1  }
0xbf: {  	[sflag:s29] =	ssyncadd.s32 $0xFFFFFFFF  }
0xc0: {  	_ =	strace $0x90000048  }
0xc1: {  	_ =	sfence  }
0xc2: {  	s30 =	sld [smem:$0x0];
	_ =	sdelay $0x2  }
0xc3: {  	s31 =	sshll.u32 s1, $0xD;
	s1 =	sshrl.u32 s1, $0x2  }
0xc4: {  	s3 =	sand.u32 $0x4000, s31;
	s1 =	sadd.s32 s1, s30  }
0xc5: {  	s0 =	sor.u32 s3, s0;
	s1 =	sshll.u32 s1, $0x11  }
0xc6: {  	s0 =	sor.u32 s1, s0  }
0xc7: {  	s0 =	sadd.s32 $0x8F2B, s0  }
0xc8: {  	[sflag:s0] =	ssyncadd.remote.s32 $0x1  }
0xc9: {  	_ =	sfence.sel $0xFFFF  }
0xca: {  	[dreg:$0x0] =	wrdreg $0xFFFFFFFF;
	(pc) =	sbr.abs _section_cstart, $3  }
0xcb: {  	[dreg:$0x1] =	wrdreg $0xFFFFFFFF  }
0xcc: {  	_ =	task.clear_ibuf [dreg:s11], $0x2FFFF;
	_ =	strace $0x9FFFFFFF  }
0xcd: {  	(tm) =	ssettm $0x7FFFFFFF  }
tec
execute0_lowered:
.L_overlay_start_1:
0x0: {  	(tag) =	ssettag $0x1  }
0x1: {  	s0 =	rddreg [dreg:$0x0]  }
0x2: {  	s3 =	rddreg [dreg:$0x1]  }
0x3: {  	s4 =	rddreg [dreg:$0x2]  }
0x4: {  	s1 =	rddreg [dreg:$0x3]  }
0x5: {  	s5 =	rddreg [dreg:$0x4]  }
0x6: {  	s2 =	srdreg.scid;
	s8 =	stileid.u32  }
0x7: {  	s30 =	simm.s32 $0xD;
	s12 =	simm.s32 $0x200;
	s31 =	simm.s32 $0x100  }
0x8: {  	s17 =	simm.s32 $0x14200;
	s15 =	simm.s32 $0x1;
	s13 =	simm.s32 $0x4  }
0x9: {  	s29 =	simm.s32 $0x180;
	s28 =	simm.s32 $0x2;
	p0 =	por $0x0, $0x0  }
0xa: {  	s18 =	simm.s32 $0xB;
	s16 =	simm.s32 $0x9;
	s14 =	simm.s32 $0xC  }
0xb: {  	s6 =	sand.u32 $0x1, s2;
	s2 =	simm.s32 $0x0;
	s8 =	sshll.u32 s8, $0x9  }
0xc: {  	s7 =	sshll.u32 s6, $0xD;
	[smem:$0x7FF] =	sst s2;
	s6 =	ssub.s32 $0x2, s6  }
0xd: {  	s7 =	sor.u32 s8, s7;
	_ =	strace $0x80000047;
	s19 =	sshrl.u32 s6, $0x1  }
0xe: {  	s8 =	sshrl.u32 s7, $0x3;
	s7 =	sshll.u32 s7, $0x4;
	s6 =	ssub.s32 s6, s19  }
0xf: {  	s19 =	simm.s32 $0x8;
	s0 =	sadd.s32 s0, s8;
	s20 =	sadd.s32 s1, s7  }
0x10: {  	s21 =	sadd.s32 s5, s7;
	s9 =	sor.u32 $0x800, s7;
	[dreg:$0x6] =	wrdreg s0  }
0x11: {  	s24 =	sor.u32 $0x1000, s7;
	s25 =	sor.u32 $0x1800, s7;
	[dreg:$0x7] =	wrdreg s20  }
0x12: {  	s26 =	smax.u32 s6, $0x1;
	s6 =	simm.s32 $0x7;
	[dreg:$0x8] =	wrdreg s21  }
0x13: {  	s22 =	sadd.s32 s1, s9;
	s23 =	sadd.s32 s5, s9;
	s11 =	sadd.s32 s1, s24  }
0x14: {  	s10 =	sadd.s32 s5, s24;
	s8 =	sadd.s32 s1, s25;
	p1 =	sne.s32 s26, $0x1  }
.Ltmp0:
0x15: {  	s7 =	sadd.s32 s5, s25;
	s9 =	simm.s32 $0xC200;
	(pc) =	sbr.rel @!p1 .LBB2_3-.Ltmp0, $4  }
0x16: {  	s21 =	simm.s32 $0x10200;
	s20 =	simm.s32 $0x8200;
	s5 =	simm.s32 $0xA  }
0x17: {  	s25 =	simm.s32 $0x5;
	s0 =	sadd.s32 $0xFFFFFFFF, s26;
	[dreg:$0x9] =	wrdreg s22  }
0x18: {  	s26 =	simm.s32 $0x3;
	s24 =	simm.s32 $0x6;
	[dreg:$0xa] =	wrdreg s23  }
0x19: {  	s23 =	simm.s32 $0x80;
	s22 =	simm.s32 $0x4200;
	s1 =	rddreg [dreg:$0x6]  }
0x1a: {  	[tilespmem:s2], [sflag:$0xD] =	stream.linear.gather [hbm4b:s1+s2], $0x200, $0x38;
	[tilespmem:$0x18200] =	vst v63  }
0x1b: {  	_ =	swait.ge [sflag:s30], $0x200  }
0x1c: {  	[sflag:s30] =	ssyncset.done $0x0  }
0x1d: {  	[sflag:s30] =	ssyncadd.s32 $0xFFFFFE00  }
0x1e: {  	[tilespmem:s12], [sflag:$0x1] =	stream.indirect.gather [hbm4b:s3+s23], $0x80, s2, s23, $0xb8;
	[tilespmem:$0x18200] =	vst v63  }
0x1f: {  	_ = 	snop  }
0x20: {  	[tilespmem:s9], [sflag:$0x4] =	stream.indirect.gather [hbm4b:s4+s23], $0x80, s2, s23, $0xb8;
	[tilespmem:$0x18200] =	vst v63  }
0x21: {  	_ = 	snop  }
0x22: {  	[tilespmem:s22], [sflag:$0x2] =	stream.indirect.gather [hbm4b:s3+s23], $0x80, s23, s23, $0xb8;
	[tilespmem:$0x18200] =	vst v63  }
0x23: {  	_ = 	snop  }
0x24: {  	[tilespmem:s21], [sflag:$0x5] =	stream.indirect.gather [hbm4b:s4+s23], $0x80, s23, s23, $0xb8;
	[tilespmem:$0x18200] =	vst v63  }
0x25: {  	_ = 	snop  }
0x26: {  	[tilespmem:s20], [sflag:$0x3] =	stream.indirect.gather [hbm4b:s3+s23], $0x80, s31, s23, $0xb8;
	[tilespmem:$0x18200] =	vst v63  }
0x27: {  	_ = 	snop  }
0x28: {  	[tilespmem:s17], [sflag:$0x6] =	stream.indirect.gather [hbm4b:s4+s23], $0x80, s31, s23, $0xb8;
	[tilespmem:$0x18200] =	vst v63  }
0x29: {  	_ =	swait.ge [sflag:s15], $0x4000  }
0x2a: {  	[sflag:s15] =	ssyncset.done $0x0  }
0x2b: {  	s1 =	rddreg [dreg:$0x7];
	[sflag:s15] =	ssyncadd.s32 $0xFFFFC000  }
0x2c: {  	[hbm4b:s1+s2] =	stream.linear.scatter [tilespmem:s12], [sflag:$0x7], $0x4000, $0x38;
	[tilespmem:$0x18200] =	vst v63  }
0x2d: {  	_ =	swait.ge [sflag:s13], $0x4000  }
0x2e: {  	[sflag:s13] =	ssyncset.done $0x0  }
0x2f: {  	s1 =	rddreg [dreg:$0x8];
	[sflag:s13] =	ssyncadd.s32 $0xFFFFC000  }
0x30: {  	[hbm4b:s1+s2] =	stream.linear.scatter [tilespmem:s9], [sflag:$0xA], $0x4000, $0x38;
	[tilespmem:$0x18200] =	vst v63  }
0x31: {  	_ =	swait.ge [sflag:s6], $0x4000  }
0x32: {  	[sflag:s6] =	ssyncset.done $0x0  }
0x33: {  	[sflag:s6] =	ssyncadd.s32 $0xFFFFC000  }
0x34: {  	_ =	swait.ge [sflag:s5], $0x4000  }
0x35: {  	[sflag:s5] =	ssyncset.done $0x0  }
0x36: {  	[sflag:s5] =	ssyncadd.s32 $0xFFFFC000  }
0x37: {  	[tilespmem:s12], [sflag:$0x1] =	stream.indirect.gather [hbm4b:s3+s23], $0x80, s29, s23, $0xb8;
	[tilespmem:$0x18200] =	vst v63  }
0x38: {  	_ = 	snop  }
0x39: {  	[tilespmem:s9], [sflag:$0x4] =	stream.indirect.gather [hbm4b:s4+s23], $0x80, s29, s23, $0xb8;
	[tilespmem:$0x18200] =	vst v63  }
0x3a: {  	_ =	swait.ge [sflag:s28], $0x4000  }
0x3b: {  	[sflag:s28] =	ssyncset.done $0x0  }
0x3c: {  	s1 =	rddreg [dreg:$0x9];
	[sflag:s28] =	ssyncadd.s32 $0xFFFFC000  }
0x3d: {  	[hbm4b:s1+s2] =	stream.linear.scatter [tilespmem:s22], [sflag:$0x8], $0x4000, $0x38;
	[tilespmem:$0x18200] =	vst v63  }
0x3e: {  	_ =	swait.ge [sflag:s25], $0x4000  }
0x3f: {  	[sflag:s25] =	ssyncset.done $0x0  }
0x40: {  	s1 =	rddreg [dreg:$0xa];
	[sflag:s25] =	ssyncadd.s32 $0xFFFFC000  }
0x41: {  	[hbm4b:s1+s2] =	stream.linear.scatter [tilespmem:s21], [sflag:$0xB], $0x4000, $0x38;
	[tilespmem:$0x18200] =	vst v63  }
0x42: {  	_ =	swait.ge [sflag:s26], $0x4000  }
0x43: {  	[sflag:s26] =	ssyncset.done $0x0  }
0x44: {  	[sflag:s26] =	ssyncadd.s32 $0xFFFFC000  }
0x45: {  	[hbm4b:s11+s2] =	stream.linear.scatter [tilespmem:s20], [sflag:$0x9], $0x4000, $0x38;
	[tilespmem:$0x18200] =	vst v63  }
0x46: {  	_ =	swait.ge [sflag:s24], $0x4000  }
0x47: {  	[sflag:s24] =	ssyncset.done $0x0  }
0x48: {  	[sflag:s24] =	ssyncadd.s32 $0xFFFFC000  }
0x49: {  	[hbm4b:s10+s2] =	stream.linear.scatter [tilespmem:s17], [sflag:$0xC], $0x4000, $0x38;
	[tilespmem:$0x18200] =	vst v63  }
0x4a: {  	_ =	swait.ge [sflag:s15], $0x4000  }
0x4b: {  	[sflag:s15] =	ssyncset.done $0x0  }
0x4c: {  	[sflag:s15] =	ssyncadd.s32 $0xFFFFC000  }
0x4d: {  	[hbm4b:s8+s2] =	stream.linear.scatter [tilespmem:s12], [sflag:$0x7], $0x4000, $0x38;
	[tilespmem:$0x18200] =	vst v63  }
0x4e: {  	_ =	swait.ge [sflag:s13], $0x4000  }
0x4f: {  	[sflag:s13] =	ssyncset.done $0x0  }
0x50: {  	[sflag:s13] =	ssyncadd.s32 $0xFFFFC000  }
0x51: {  	[hbm4b:s7+s2] =	stream.linear.scatter [tilespmem:s9], [sflag:$0xA], $0x4000, $0x38;
	[tilespmem:$0x18200] =	vst v63  }
0x52: {  	_ =	swait.ge [sflag:s19], $0x4000  }
0x53: {  	[sflag:s19] =	ssyncset.done $0x0  }
0x54: {  	[sflag:s19] =	ssyncadd.s32 $0xFFFFC000  }
0x55: {  	_ =	swait.ge [sflag:s18], $0x4000  }
0x56: {  	[sflag:s18] =	ssyncset.done $0x0  }
0x57: {  	[sflag:s18] =	ssyncadd.s32 $0xFFFFC000  }
0x58: {  	_ =	swait.ge [sflag:s16], $0x4000  }
0x59: {  	[sflag:s16] =	ssyncset.done $0x0  }
0x5a: {  	[sflag:s16] =	ssyncadd.s32 $0xFFFFC000  }
0x5b: {  	_ =	swait.ge [sflag:s14], $0x4000  }
0x5c: {  	[sflag:s14] =	ssyncset.done $0x0  }
0x5d: {  	p1 =	sne.s32 s0, $0x1;
	[sflag:s14] =	ssyncadd.s32 $0xFFFFC000  }
.Ltmp1:
0x5e: {  	_ =	swait.ge [sflag:s6], $0x4000;
	(pc) =	sbr.rel @!p1 .LBB2_3-.Ltmp1, $4  }
0x5f: {  	[sflag:s6] =	ssyncset.done $0x0  }
0x60: {  	[sflag:s6] =	ssyncadd.s32 $0xFFFFC000  }
0x61: {  	s0 =	sadd.s32 $0xFFFFFFFF, s0;
	_ =	swait.ge [sflag:s5], $0x4000  }
0x62: {  	p0 =	por $0x1, $0x1;
	s1 =	rddreg [dreg:$0x6];
	[sflag:s5] =	ssyncset.done $0x0  }
.LBB2_2:
0x63: {  	[sflag:s5] =	ssyncadd.s32 $0xFFFFC000  }
0x64: {  	[tilespmem:s2], [sflag:$0xD] =	stream.linear.gather [hbm4b:s1+s2], $0x200, $0x38;
	[tilespmem:$0x18200] =	vst v63  }
0x65: {  	_ =	swait.ge [sflag:s30], $0x200  }
0x66: {  	[sflag:s30] =	ssyncset.done $0x0  }
0x67: {  	[sflag:s30] =	ssyncadd.s32 $0xFFFFFE00  }
0x68: {  	[tilespmem:s12], [sflag:$0x1] =	stream.indirect.gather [hbm4b:s3+s23], $0x80, s2, s23, $0xb8;
	[tilespmem:$0x18200] =	vst v63  }
0x69: {  	_ = 	snop  }
0x6a: {  	[tilespmem:s9], [sflag:$0x4] =	stream.indirect.gather [hbm4b:s4+s23], $0x80, s2, s23, $0xb8;
	[tilespmem:$0x18200] =	vst v63  }
0x6b: {  	_ = 	snop  }
0x6c: {  	[tilespmem:s22], [sflag:$0x2] =	stream.indirect.gather [hbm4b:s3+s23], $0x80, s23, s23, $0xb8;
	[tilespmem:$0x18200] =	vst v63  }
0x6d: {  	_ = 	snop  }
0x6e: {  	[tilespmem:s21], [sflag:$0x5] =	stream.indirect.gather [hbm4b:s4+s23], $0x80, s23, s23, $0xb8;
	[tilespmem:$0x18200] =	vst v63  }
0x6f: {  	_ = 	snop  }
0x70: {  	[tilespmem:s20], [sflag:$0x3] =	stream.indirect.gather [hbm4b:s3+s23], $0x80, s31, s23, $0xb8;
	[tilespmem:$0x18200] =	vst v63  }
0x71: {  	_ = 	snop  }
0x72: {  	[tilespmem:s17], [sflag:$0x6] =	stream.indirect.gather [hbm4b:s4+s23], $0x80, s31, s23, $0xb8;
	[tilespmem:$0x18200] =	vst v63  }
0x73: {  	_ =	swait.ge [sflag:s15], $0x4000  }
0x74: {  	[sflag:s15] =	ssyncset.done $0x0  }
0x75: {  	s1 =	rddreg [dreg:$0x7];
	[sflag:s15] =	ssyncadd.s32 $0xFFFFC000  }
0x76: {  	[hbm4b:s1+s2] =	stream.linear.scatter [tilespmem:s12], [sflag:$0x7], $0x4000, $0x38;
	[tilespmem:$0x18200] =	vst v63  }
0x77: {  	_ =	swait.ge [sflag:s13], $0x4000  }
0x78: {  	[sflag:s13] =	ssyncset.done $0x0  }
0x79: {  	s1 =	rddreg [dreg:$0x8];
	[sflag:s13] =	ssyncadd.s32 $0xFFFFC000  }
0x7a: {  	[hbm4b:s1+s2] =	stream.linear.scatter [tilespmem:s9], [sflag:$0xA], $0x4000, $0x38;
	[tilespmem:$0x18200] =	vst v63  }
0x7b: {  	_ =	swait.ge [sflag:s6], $0x4000  }
0x7c: {  	[sflag:s6] =	ssyncset.done $0x0  }
0x7d: {  	[sflag:s6] =	ssyncadd.s32 $0xFFFFC000  }
0x7e: {  	_ =	swait.ge [sflag:s5], $0x4000  }
0x7f: {  	[sflag:s5] =	ssyncset.done $0x0  }
0x80: {  	[sflag:s5] =	ssyncadd.s32 $0xFFFFC000  }
0x81: {  	[tilespmem:s12], [sflag:$0x1] =	stream.indirect.gather [hbm4b:s3+s23], $0x80, s29, s23, $0xb8;
	[tilespmem:$0x18200] =	vst v63  }
0x82: {  	_ = 	snop  }
0x83: {  	[tilespmem:s9], [sflag:$0x4] =	stream.indirect.gather [hbm4b:s4+s23], $0x80, s29, s23, $0xb8;
	[tilespmem:$0x18200] =	vst v63  }
0x84: {  	_ =	swait.ge [sflag:s28], $0x4000  }
0x85: {  	[sflag:s28] =	ssyncset.done $0x0  }
0x86: {  	s1 =	rddreg [dreg:$0x9];
	[sflag:s28] =	ssyncadd.s32 $0xFFFFC000  }
0x87: {  	[hbm4b:s1+s2] =	stream.linear.scatter [tilespmem:s22], [sflag:$0x8], $0x4000, $0x38;
	[tilespmem:$0x18200] =	vst v63  }
0x88: {  	_ =	swait.ge [sflag:s25], $0x4000  }
0x89: {  	[sflag:s25] =	ssyncset.done $0x0  }
0x8a: {  	s1 =	rddreg [dreg:$0xa];
	[sflag:s25] =	ssyncadd.s32 $0xFFFFC000  }
0x8b: {  	[hbm4b:s1+s2] =	stream.linear.scatter [tilespmem:s21], [sflag:$0xB], $0x4000, $0x38;
	[tilespmem:$0x18200] =	vst v63  }
0x8c: {  	_ =	swait.ge [sflag:s26], $0x4000  }
0x8d: {  	[sflag:s26] =	ssyncset.done $0x0  }
0x8e: {  	[sflag:s26] =	ssyncadd.s32 $0xFFFFC000  }
0x8f: {  	[hbm4b:s11+s2] =	stream.linear.scatter [tilespmem:s20], [sflag:$0x9], $0x4000, $0x38;
	[tilespmem:$0x18200] =	vst v63  }
0x90: {  	_ =	swait.ge [sflag:s24], $0x4000  }
0x91: {  	[sflag:s24] =	ssyncset.done $0x0  }
0x92: {  	[sflag:s24] =	ssyncadd.s32 $0xFFFFC000  }
0x93: {  	[hbm4b:s10+s2] =	stream.linear.scatter [tilespmem:s17], [sflag:$0xC], $0x4000, $0x38;
	[tilespmem:$0x18200] =	vst v63  }
0x94: {  	_ =	swait.ge [sflag:s15], $0x4000  }
0x95: {  	[sflag:s15] =	ssyncset.done $0x0  }
0x96: {  	[sflag:s15] =	ssyncadd.s32 $0xFFFFC000  }
0x97: {  	[hbm4b:s8+s2] =	stream.linear.scatter [tilespmem:s12], [sflag:$0x7], $0x4000, $0x38;
	[tilespmem:$0x18200] =	vst v63  }
0x98: {  	_ =	swait.ge [sflag:s13], $0x4000  }
0x99: {  	[sflag:s13] =	ssyncset.done $0x0  }
0x9a: {  	[sflag:s13] =	ssyncadd.s32 $0xFFFFC000  }
0x9b: {  	[hbm4b:s7+s2] =	stream.linear.scatter [tilespmem:s9], [sflag:$0xA], $0x4000, $0x38;
	[tilespmem:$0x18200] =	vst v63  }
0x9c: {  	_ =	swait.ge [sflag:s19], $0x4000  }
0x9d: {  	[sflag:s19] =	ssyncset.done $0x0  }
0x9e: {  	[sflag:s19] =	ssyncadd.s32 $0xFFFFC000  }
0x9f: {  	_ =	swait.ge [sflag:s18], $0x4000  }
0xa0: {  	[sflag:s18] =	ssyncset.done $0x0  }
0xa1: {  	[sflag:s18] =	ssyncadd.s32 $0xFFFFC000  }
0xa2: {  	_ =	swait.ge [sflag:s16], $0x4000  }
0xa3: {  	[sflag:s16] =	ssyncset.done $0x0  }
0xa4: {  	[sflag:s16] =	ssyncadd.s32 $0xFFFFC000  }
0xa5: {  	_ =	swait.ge [sflag:s14], $0x4000  }
0xa6: {  	[sflag:s14] =	ssyncset.done $0x0  }
0xa7: {  	p1 =	sne.s32 s0, $0x1;
	[sflag:s14] =	ssyncadd.s32 $0xFFFFC000  }
.Ltmp2:
0xa8: {  	_ =	swait.ge [sflag:s6], $0x4000;
	(pc) =	sbr.rel @p1 .LBB2_2-.Ltmp2, $4  }
0xa9: {  	[sflag:s6] =	ssyncset.done $0x0  }
0xaa: {  	[sflag:s6] =	ssyncadd.s32 $0xFFFFC000  }
0xab: {  	_ =	swait.ge [sflag:s5], $0x4000  }
0xac: {  	s0 =	sadd.s32 $0xFFFFFFFF, s0;
	s1 =	rddreg [dreg:$0x6];
	[sflag:s5] =	ssyncset.done $0x0  }
.LBB2_3:
0xad: {  	[sflag:s5] =	ssyncadd.s32 @p0 $0xFFFFC000  }
0xae: {  	[tilespmem:s2], [sflag:$0xD] =	stream.linear.gather [hbm4b:s1+s2], $0x200, $0x38;
	[tilespmem:$0x18200] =	vst v63  }
0xaf: {  	_ =	swait.ge [sflag:s30], $0x200  }
0xb0: {  	[sflag:s30] =	ssyncset.done $0x0  }
0xb1: {  	[sflag:s30] =	ssyncadd.s32 $0xFFFFFE00  }
0xb2: {  	[tilespmem:s12], [sflag:$0x1] =	stream.indirect.gather [hbm4b:s3+s23], $0x80, s2, s23, $0xb8;
	[tilespmem:$0x18200] =	vst v63  }
0xb3: {  	_ = 	snop  }
0xb4: {  	[tilespmem:s9], [sflag:$0x4] =	stream.indirect.gather [hbm4b:s4+s23], $0x80, s2, s23, $0xb8;
	[tilespmem:$0x18200] =	vst v63  }
0xb5: {  	_ = 	snop  }
0xb6: {  	[tilespmem:s22], [sflag:$0x2] =	stream.indirect.gather [hbm4b:s3+s23], $0x80, s23, s23, $0xb8;
	[tilespmem:$0x18200] =	vst v63  }
0xb7: {  	_ = 	snop  }
0xb8: {  	[tilespmem:s21], [sflag:$0x5] =	stream.indirect.gather [hbm4b:s4+s23], $0x80, s23, s23, $0xb8;
	[tilespmem:$0x18200] =	vst v63  }
0xb9: {  	_ = 	snop  }
0xba: {  	[tilespmem:s20], [sflag:$0x3] =	stream.indirect.gather [hbm4b:s3+s23], $0x80, s31, s23, $0xb8;
	[tilespmem:$0x18200] =	vst v63  }
0xbb: {  	_ = 	snop  }
0xbc: {  	[tilespmem:s17], [sflag:$0x6] =	stream.indirect.gather [hbm4b:s4+s23], $0x80, s31, s23, $0xb8;
	[tilespmem:$0x18200] =	vst v63  }
0xbd: {  	_ =	swait.ge [sflag:s15], $0x4000  }
0xbe: {  	[sflag:s15] =	ssyncset.done $0x0  }
0xbf: {  	s0 =	rddreg [dreg:$0x7];
	[sflag:s15] =	ssyncadd.s32 $0xFFFFC000  }
0xc0: {  	[hbm4b:s0+s2] =	stream.linear.scatter [tilespmem:s12], [sflag:$0x7], $0x4000, $0x38;
	[tilespmem:$0x18200] =	vst v63  }
0xc1: {  	_ =	swait.ge [sflag:s13], $0x4000  }
0xc2: {  	[sflag:s13] =	ssyncset.done $0x0  }
0xc3: {  	s1 =	rddreg [dreg:$0x8];
	[sflag:s13] =	ssyncadd.s32 $0xFFFFC000  }
0xc4: {  	[hbm4b:s1+s2] =	stream.linear.scatter [tilespmem:s9], [sflag:$0xA], $0x4000, $0x38;
	[tilespmem:$0x18200] =	vst v63  }
0xc5: {  	_ =	swait.ge [sflag:s6], $0x4000  }
0xc6: {  	[sflag:s6] =	ssyncset.done $0x0  }
0xc7: {  	[sflag:s6] =	ssyncadd.s32 $0xFFFFC000  }
0xc8: {  	_ =	swait.ge [sflag:s5], $0x4000  }
0xc9: {  	[sflag:s5] =	ssyncset.done $0x0  }
0xca: {  	[sflag:s5] =	ssyncadd.s32 $0xFFFFC000  }
0xcb: {  	[tilespmem:s12], [sflag:$0x1] =	stream.indirect.gather [hbm4b:s3+s23], $0x80, s29, s23, $0xb8;
	[tilespmem:$0x18200] =	vst v63  }
0xcc: {  	_ = 	snop  }
0xcd: {  	[tilespmem:s9], [sflag:$0x4] =	stream.indirect.gather [hbm4b:s4+s23], $0x80, s29, s23, $0xb8;
	[tilespmem:$0x18200] =	vst v63  }
0xce: {  	_ =	swait.ge [sflag:s28], $0x4000  }
0xcf: {  	[sflag:s28] =	ssyncset.done $0x0  }
0xd0: {  	s29 =	rddreg [dreg:$0x9];
	[sflag:s28] =	ssyncadd.s32 $0xFFFFC000  }
0xd1: {  	[hbm4b:s29+s2] =	stream.linear.scatter [tilespmem:s22], [sflag:$0x8], $0x4000, $0x38;
	[tilespmem:$0x18200] =	vst v63  }
0xd2: {  	_ =	swait.ge [sflag:s25], $0x4000  }
0xd3: {  	[sflag:s25] =	ssyncset.done $0x0  }
0xd4: {  	s30 =	rddreg [dreg:$0xa];
	[sflag:s25] =	ssyncadd.s32 $0xFFFFC000  }
0xd5: {  	[hbm4b:s30+s2] =	stream.linear.scatter [tilespmem:s21], [sflag:$0xB], $0x4000, $0x38;
	[tilespmem:$0x18200] =	vst v63  }
0xd6: {  	_ =	swait.ge [sflag:s26], $0x4000  }
0xd7: {  	[sflag:s26] =	ssyncset.done $0x0  }
0xd8: {  	[sflag:s26] =	ssyncadd.s32 $0xFFFFC000  }
0xd9: {  	[hbm4b:s11+s2] =	stream.linear.scatter [tilespmem:s20], [sflag:$0x9], $0x4000, $0x38;
	[tilespmem:$0x18200] =	vst v63  }
0xda: {  	_ =	swait.ge [sflag:s24], $0x4000  }
0xdb: {  	[sflag:s24] =	ssyncset.done $0x0  }
0xdc: {  	[sflag:s24] =	ssyncadd.s32 $0xFFFFC000  }
0xdd: {  	[hbm4b:s10+s2] =	stream.linear.scatter [tilespmem:s17], [sflag:$0xC], $0x4000, $0x38;
	[tilespmem:$0x18200] =	vst v63  }
0xde: {  	_ =	swait.ge [sflag:s15], $0x4000  }
0xdf: {  	[sflag:s15] =	ssyncset.done $0x0  }
0xe0: {  	[sflag:s15] =	ssyncadd.s32 $0xFFFFC000  }
0xe1: {  	[hbm4b:s8+s2] =	stream.linear.scatter [tilespmem:s12], [sflag:$0x7], $0x4000, $0x38;
	[tilespmem:$0x18200] =	vst v63  }
0xe2: {  	_ =	swait.ge [sflag:s13], $0x4000  }
0xe3: {  	[sflag:s13] =	ssyncset.done $0x0  }
0xe4: {  	[sflag:s13] =	ssyncadd.s32 $0xFFFFC000  }
0xe5: {  	[hbm4b:s7+s2] =	stream.linear.scatter [tilespmem:s9], [sflag:$0xA], $0x4000, $0x38;
	[tilespmem:$0x18200] =	vst v63  }
0xe6: {  	_ =	swait.ge [sflag:s19], $0x4000  }
0xe7: {  	[sflag:s19] =	ssyncset.done $0x0  }
0xe8: {  	[sflag:s19] =	ssyncadd.s32 $0xFFFFC000  }
0xe9: {  	_ =	swait.ge [sflag:s18], $0x4000  }
0xea: {  	[sflag:s18] =	ssyncset.done $0x0  }
0xeb: {  	[sflag:s18] =	ssyncadd.s32 $0xFFFFC000  }
0xec: {  	_ =	swait.ge [sflag:s16], $0x4000  }
0xed: {  	[sflag:s16] =	ssyncset.done $0x0  }
0xee: {  	[sflag:s16] =	ssyncadd.s32 $0xFFFFC000  }
0xef: {  	_ =	swait.ge [sflag:s14], $0x4000  }
0xf0: {  	[sflag:s14] =	ssyncset.done $0x0  }
0xf1: {  	[sflag:s14] =	ssyncadd.s32 $0xFFFFC000  }
0xf2: {  	_ =	swait.ge [sflag:s6], $0x4000  }
0xf3: {  	[sflag:s6] =	ssyncset.done $0x0  }
0xf4: {  	[sflag:s6] =	ssyncadd.s32 $0xFFFFC000  }
0xf5: {  	_ =	swait.ge [sflag:s5], $0x4000  }
0xf6: {  	[sflag:s5] =	ssyncset.done $0x0  }
0xf7: {  	[sflag:s5] =	ssyncadd.s32 $0xFFFFC000  }
0xf8: {  	_ =	sfence.sel $0x180000  }
0xf9: {  	[bflag:$0x0] =	sbarrier.arrive $0xFFFF  }
0xfa: {  	_ =	strace $0x90000047  }
0xfb: {  	s31 =	stileid.u32;
	[bflag:$0x2] =	sbarrier.arrive $0xFFFF  }
0xfc: {  	p0 =	sne.s32 s31, $0x0;
	s0 =	rddreg [dreg:$0x5]  }
0xfd: {  	s0 =	sadd.s32 @!p0 $0x100000, s0  }
0xfe: {  	[sflag:s0] =	ssyncadd.tile.s32 @!p0 $0x1;
	_ =	shalt  }
.Lfunc_end2:
_tile_overlayer_lowered:
.L_overlay_start_2:
0xff: {  	(tag) =	ssettag $0x2  }
0x100: {  	s0 =	rddreg [dreg:$0x0];
	s2 =	stileid.u32  }
0x101: {  	s1 =	rddreg [dreg:$0x1];
	p0 =	sne.s32 s2, $0x0  }
0x102: {  	s3 =	rddreg [dreg:$0x2];
	[bflag:$0x3] =	sbarrier.arrive $0xFFFF;
	s2 =	simm.s32 @!p0 $0x1C0D  }
0x103: {  	[timem:s3], [sflag:s2] =	dma.local @!p0 [hbm:s0], s1  }
0x104: {  	s0 =	simm.s32 @!p0 $0xD  }
0x105: {  	_ =	swait.ge @!p0 [sflag:s0], s1  }
0x106: {  	s1 =	ssub.s32 @!p0 $0x0, s1;
	[sflag:s0] =	ssyncset.done @!p0 $0x0  }
0x107: {  	[sflag:s0] =	ssyncadd.s32 @!p0 s1  }
0x108: {  	[bflag:$0x3] =	sbarrier.arrive $0xFFFF  }
0x109: {  	_ =	shalt  }

</sc_bundles>
